<compile_context>
chip_gen: v7x
topology: tpu7x:2x2x1
jax: 0.10.2.dev20260603
libtpu: 0.0.44.dev20260713+nightly
codegen_flags: <defaults>
</compile_context>

<pallas_src>
import functools
import math

import jax
import jax.numpy as jnp
from jax import lax
from jax.experimental import pallas as pl
from jax.experimental.pallas import tpu as pltpu
from jax.experimental.pallas import tpu_sc as plsc

NEG_INF = float("-inf")
BIG_I32 = 2**30


def _topk_body(nb, mb, rows, m_total, topk,
               prop_ref, xw_ref, xb_ref, wg_ref, key_ref, mem_ref,
               mlab_ref, w16_ref, sidx_ref, ridx_ref,
               xq_s, topv_s, topi_s, att_s):
    i = pl.program_id(0)
    col0 = i * mb
    lane = jax.lax.broadcasted_iota(jnp.int32, (rows, 128), 1)

    @pl.when(i == 0)
    def _init():
        x = jnp.mean(prop_ref[...], axis=1).reshape(rows, 128)
        xq = jnp.tanh(
            jax.lax.dot_general(x, xw_ref[...], (((1,), (1,)), ((), ())),
                                preferred_element_type=jnp.float32)
            + xb_ref[...])
        xq_s[...] = xq
        topv_s[...] = jnp.full((rows, 128), NEG_INF, jnp.float32)
        topi_s[...] = jnp.zeros((rows, 128), jnp.int32)

    rowid = col0 + jax.lax.broadcasted_iota(jnp.int32, (mb, 128), 0)
    mblk = jnp.where(rowid < m_total, mem_ref[...], 0.0)
    colids = col0 + jax.lax.broadcasted_iota(jnp.int32, (rows, mb), 1)

    att = jax.lax.dot_general(xq_s[...], key_ref[...],
                              (((1,), (1,)), ((), ())),
                              preferred_element_type=jnp.float32)
    att = jnp.where(colids < m_total, att, NEG_INF)
    att_s[...] = att

    logits = jax.lax.dot_general(mblk, wg_ref[...], (((1,), (0,)), ((), ())),
                                 preferred_element_type=jnp.float32)
    mlab_ref[...] = jax.nn.softmax(logits, axis=-1)

    def round_(carry):
        att = att_s[...]
        m = jnp.max(att, axis=1, keepdims=True)
        topv = topv_s[...]
        thr = topv[:, topk - 1:topk]
        go = jnp.any(m > thr)

        @pl.when(go)
        def _extract():
            topi = topi_s[...]
            am = jnp.min(jnp.where(att == m, colids, BIG_I32), axis=1,
                         keepdims=True)
            att_s[...] = jnp.where(colids == am, NEG_INF, att)
            pos = jnp.sum(
                jnp.where(jnp.logical_and(topv >= m, lane < topk), 1, 0),
                axis=1, keepdims=True)
            rolv = jnp.concatenate([topv[:, :1], topv[:, :-1]], axis=1)
            roli = jnp.concatenate([topi[:, :1], topi[:, :-1]], axis=1)
            tv = jnp.where(lane < pos, topv, jnp.where(lane == pos, m, rolv))
            ti = jnp.where(lane < pos, topi, jnp.where(lane == pos, am, roli))
            topv_s[...] = jnp.where(lane < topk, tv, NEG_INF)
            topi_s[...] = ti

        return go

    jax.lax.while_loop(lambda go: go, round_, jnp.bool_(True))

    @pl.when(i == nb - 1)
    def _emit():
        topv = topv_s[...]
        topi = topi_s[...]
        e = jnp.exp(topv - topv[:, :1])
        e = jnp.where(lane < topk, e, 0.0)
        wsm = e / jnp.sum(e, axis=1, keepdims=True)
        rid = jax.lax.broadcasted_iota(jnp.int32, (rows, 128), 0)
        w16_ref[...] = wsm[:, :16]
        sidx_ref[...] = (rid * m_total + topi)[:, :16]
        ridx_ref[...] = topi[:, :16]


def _sc_body(rows, m_total, topk, n_chunk, chunk, zwords, ncopy,
             sidx_hbm, ridx_hbm, w_hbm, mem_hbm,
             attw_hbm, memrows_hbm,
             zbuf, idx_v, ridx_v, w_v, rows_v, sem):
    c = lax.axis_index("c")
    s = lax.axis_index("s")
    wid = s * 2 + c
    per_w = rows // 32 * m_total
    base = wid * per_w

    def zinit(t, _):
        zbuf[pl.ds(t * 16, 16)] = jnp.zeros((16,), jnp.float32)
        return 0
    lax.fori_loop(0, zwords // 16, zinit, 0)

    def zfill(t, _):
        pltpu.sync_copy(zbuf, attw_hbm.at[pl.ds(base + t * zwords, zwords)])
        return 0
    lax.fori_loop(0, ncopy, zfill, 0)

    pltpu.sync_copy(sidx_hbm.at[pl.ds(wid * n_chunk, n_chunk)], idx_v)
    pltpu.sync_copy(ridx_hbm.at[pl.ds(wid * n_chunk, n_chunk)], ridx_v)
    pltpu.sync_copy(w_hbm.at[pl.ds(wid * n_chunk, n_chunk)], w_v)

    for j in range(n_chunk):
        pltpu.async_copy(w_v.at[j], attw_hbm.at[idx_v.at[j]], sem).wait()
        pltpu.async_copy(mem_hbm.at[ridx_v.at[j]],
                         rows_v.at[pl.ds(j * chunk, chunk)], sem).wait()

    pltpu.sync_copy(
        rows_v,
        memrows_hbm.at[pl.ds(wid * n_chunk * chunk, n_chunk * chunk)])


def _fin_body(rows, topk, memrows_ref, w16_ref, wg_ref,
              memret_ref, lblret_ref):
    w16 = w16_ref[...]
    accm = jnp.zeros((rows, 128), jnp.float32)
    accl = jnp.zeros((rows, 8), jnp.float32)
    for j in range(topk):
        row_j = memrows_ref[:, pl.ds(j * 128, 128)]
        wj = w16[:, j:j + 1]
        accm += wj * row_j
        logits = jax.lax.dot_general(row_j, wg_ref[...],
                                     (((1,), (0,)), ((), ())),
                                     preferred_element_type=jnp.float32)
        accl += wj * jax.nn.softmax(logits, axis=-1)
    memret_ref[...] = accm
    lblret_ref[...] = accl


def kernel(prop_embed, adap_embed, memMatrix, keyMatrix, x_proj_w, x_proj_b,
           w_gate, w_noise):
    B, T, N, D = prop_embed.shape
    M = memMatrix.shape[0]
    E = w_gate.shape[1]
    rows = B * N
    topk = int(math.log(M))
    mb = 2048
    nb = (M + mb - 1) // mb

    xb2 = x_proj_b.reshape(1, D)

    body = functools.partial(_topk_body, nb, mb, rows, M, topk)
    mem_label, w16, sidx, ridx = pl.pallas_call(
        body,
        grid=(nb,),
        in_specs=[
            pl.BlockSpec((B, T, N, D), lambda i: (0, 0, 0, 0)),
            pl.BlockSpec((D, D), lambda i: (0, 0)),
            pl.BlockSpec((1, D), lambda i: (0, 0)),
            pl.BlockSpec((D, E), lambda i: (0, 0)),
            pl.BlockSpec((mb, D), lambda i: (i, 0)),
            pl.BlockSpec((mb, D), lambda i: (i, 0)),
        ],
        out_specs=[
            pl.BlockSpec((mb, E), lambda i: (i, 0)),
            pl.BlockSpec((rows, 16), lambda i: (0, 0)),
            pl.BlockSpec((rows, 16), lambda i: (0, 0)),
            pl.BlockSpec((rows, 16), lambda i: (0, 0)),
        ],
        out_shape=[
            jax.ShapeDtypeStruct((M, E), jnp.float32),
            jax.ShapeDtypeStruct((rows, 16), jnp.float32),
            jax.ShapeDtypeStruct((rows, 16), jnp.int32),
            jax.ShapeDtypeStruct((rows, 16), jnp.int32),
        ],
        scratch_shapes=[
            pltpu.VMEM((rows, 128), jnp.float32),
            pltpu.VMEM((rows, 128), jnp.float32),
            pltpu.VMEM((rows, 128), jnp.int32),
            pltpu.VMEM((rows, mb), jnp.float32),
        ],
        compiler_params=pltpu.CompilerParams(
            dimension_semantics=("arbitrary",)),
    )(prop_embed, x_proj_w, xb2, w_gate, keyMatrix, memMatrix)

    nsc = rows * topk
    chunk = 88
    n_chunk_tot = nsc // chunk
    n_chunk = n_chunk_tot // 32
    sidx_f = sidx[:, :topk].reshape(n_chunk_tot, chunk)
    ridx_f = ridx[:, :topk].reshape(n_chunk_tot, chunk)
    w_f = w16[:, :topk].reshape(n_chunk_tot, chunk)

    per_w = rows // 32 * M
    zwords = 20000
    ncopy = per_w // zwords

    mesh = plsc.VectorSubcoreMesh(core_axis_name="c", subcore_axis_name="s")
    sc = pl.kernel(
        functools.partial(_sc_body, rows, M, topk, n_chunk, chunk, zwords,
                          ncopy),
        out_type=[
            jax.ShapeDtypeStruct((rows * M,), jnp.float32),
            jax.ShapeDtypeStruct((nsc, 128), jnp.float32),
        ],
        mesh=mesh,
        scratch_types=[
            pltpu.VMEM((zwords,), jnp.float32),
            pltpu.VMEM((n_chunk, chunk), jnp.int32),
            pltpu.VMEM((n_chunk, chunk), jnp.int32),
            pltpu.VMEM((n_chunk, chunk), jnp.float32),
            pltpu.VMEM((n_chunk * chunk, 128), jnp.float32),
            pltpu.SemaphoreType.DMA,
        ],
    )
    attw_flat, memrows = sc(sidx_f, ridx_f, w_f, memMatrix)

    memrows_t = memrows.reshape(rows, topk * D)

    mem_ret, lbl_ret = pl.pallas_call(
        functools.partial(_fin_body, rows, topk),
        grid=(1,),
        in_specs=[
            pl.BlockSpec((rows, topk * D), lambda i: (0, 0)),
            pl.BlockSpec((rows, 16), lambda i: (0, 0)),
            pl.BlockSpec((D, E), lambda i: (0, 0)),
        ],
        out_specs=[
            pl.BlockSpec((rows, D), lambda i: (0, 0)),
            pl.BlockSpec((rows, E), lambda i: (0, 0)),
        ],
        out_shape=[
            jax.ShapeDtypeStruct((rows, D), jnp.float32),
            jax.ShapeDtypeStruct((rows, E), jnp.float32),
        ],
    )(memrows_t, w16, w_gate)

    att_weight = attw_flat.reshape(B, N, M)
    mem_retrieved = mem_ret.reshape(B, N, D)
    label_retrieved = lbl_ret.reshape(B, N, E)
    return (label_retrieved, mem_retrieved, label_retrieved, mem_label,
            att_weight)

# --- scband reference (transcript-rebuilt; emitter-appended) ---
"""Pipeline reference for scband-memory-gating-class-63393717289351 (READ-ONLY COPY).

The authoritative reference and input builder live on the scoring server;
editing this copy changes nothing except your own understanding.
"""

import jax, jax.numpy as jnp
import numpy as np
import math

B, T, N, D = 8, 4, 64, 128
M = 100000
E = 8


def setup_inputs(seed: int = 0) -> dict:
    key = jax.random.key(seed)
    ks = jax.random.split(key, 8)
    prop_embed = jax.random.normal(ks[0], (B, T, N, D), jnp.float32)
    adap_embed = jax.random.normal(ks[1], (B, N, D), jnp.float32)
    memMatrix = jax.random.truncated_normal(ks[2], -2.0, 2.0, (M, D), jnp.float32) * 0.02
    keyMatrix = jax.random.truncated_normal(ks[3], -2.0, 2.0, (M, D), jnp.float32) * 0.02
    lim = math.sqrt(6.0 / (D + D))
    x_proj_w = jax.random.uniform(ks[4], (D, D), jnp.float32, -lim, lim)
    x_proj_b = jnp.zeros((D,), jnp.float32)
    bg = 1.0 / math.sqrt(E)
    w_gate = jax.random.uniform(ks[5], (D, E), jnp.float32, -bg, bg)
    w_noise = jax.random.uniform(ks[6], (D, E), jnp.float32, -bg, bg)
    return {
        "prop_embed": prop_embed,
        "adap_embed": adap_embed,
        "memMatrix": memMatrix,
        "keyMatrix": keyMatrix,
        "x_proj_w": x_proj_w,
        "x_proj_b": x_proj_b,
        "w_gate": w_gate,
        "w_noise": w_noise,
    }


def reference(prop_embed, adap_embed, memMatrix, keyMatrix, x_proj_w, x_proj_b, w_gate, w_noise):
    Bv, Tv, Nv, Dv = prop_embed.shape
    # mean over the T (time) dimension
    x = jnp.mean(prop_embed, axis=1)  # [B, N, D]
    # x_proj linear + tanh
    x_query = jnp.tanh(x @ x_proj_w.T + x_proj_b)  # [B, N, D]
    # attention logits against key memory: F.linear(x_query, keyMatrix)
    att = x_query @ keyMatrix.T  # [B, N, M]
    # expert gating logits from memory matrix
    clean_logits = memMatrix @ w_gate  # [M, E]
    raw_noise_stddev = memMatrix @ w_noise
    # eval mode: self.training == False -> noise_stddev multiplied by 0
    noise_stddev = (jax.nn.softplus(raw_noise_stddev) + 0.01) * 0.0
    noisy_logits = clean_logits + 0.0 * noise_stddev
    mem_label = jax.nn.softmax(noisy_logits, axis=-1)  # [M, E]
    # sparse_qk top-k masking with k = int(ln(num_memory))
    Mv = att.shape[-1]
    topk = int(math.log(int(Mv)))
    flat = att.reshape(-1, Mv)
    vals, idx = jax.lax.top_k(flat, topk)
    rows = jnp.arange(flat.shape[0])[:, None]
    masked = jnp.full_like(flat, -jnp.inf).at[rows, idx].set(vals)
    att_weight = jax.nn.softmax(masked, axis=-1).reshape(Bv, Nv, Mv)  # [B, N, M]
    # retrieve memory: F.linear(att_weight, memMatrix.T) == att_weight @ memMatrix
    mem_retrieved = att_weight @ memMatrix  # [B, N, D]
    label_retrieved = att_weight @ mem_label  # [B, N, E]
    gate = label_retrieved
    return (gate, mem_retrieved, label_retrieved, mem_label, att_weight)

if __name__ == "__main__":
    import jax
    _d = setup_inputs()
    print(jax.jit(kernel)(*tuple(_d.values())))

</pallas_src>

<mosaic_0001>
#map = affine_map<(d0, d1) -> (0, 0)>
#map1 = affine_map<(d0, d1) -> (0)>
module attributes {stable_mosaic.version = 14 : i64} {
  func.func @_sc_body(%arg0: i32, %arg1: i32, %arg2: memref<64x88xi32, #tpu.memory_space<hbm>>, %arg3: memref<64x88xi32, #tpu.memory_space<hbm>>, %arg4: memref<64x88xf32, #tpu.memory_space<hbm>>, %arg5: memref<100000x128xf32, #tpu.memory_space<hbm>>, %arg6: memref<51200000xf32, #tpu.memory_space<hbm>>, %arg7: memref<5632x128xf32, #tpu.memory_space<hbm>>, %arg8: memref<20000xf32, #tpu.memory_space<vmem>>, %arg9: memref<2x88xi32, #tpu.memory_space<vmem>>, %arg10: memref<2x88xi32, #tpu.memory_space<vmem>>, %arg11: memref<2x88xf32, #tpu.memory_space<vmem>>, %arg12: memref<176x128xf32, #tpu.memory_space<vmem>>, %arg13: memref<!tpu.dma_semaphore, #tpu.memory_space<semaphore_mem>>) attributes {dimension_semantics = [#tpu.dimension_semantics<core_parallel>, #tpu.dimension_semantics<subcore_parallel>], iteration_bounds = array<i64: 2, 16>, scalar_prefetch = 0 : i64, scratch_operands = 6 : i64, tpu.core_type = #tpu.core_type<sc_vector_subcore>, window_params = [{transform_indices = #map}, {transform_indices = #map}, {transform_indices = #map}, {transform_indices = #map}, {transform_indices = #map1}, {transform_indices = #map}]} {
    %mul3A = arith.constant 2 : i32
    %mul3A_0 = arith.muli %arg1, %mul3A : i32
    %add3A = arith.addi %mul3A_0, %arg0 : i32
    %mul3A_1 = arith.constant 1600000 : i32
    %mul3A_2 = arith.muli %add3A, %mul3A_1 : i32
    %scan3A = arith.constant 0 : i32
    %scan3A_3 = arith.constant 0 : i32
    %scan3A_4 = arith.constant 1250 : i32
    %scan3A_5 = arith.addi %scan3A_3, %scan3A_4 : i32
    %scan3A_6 = arith.constant 1 : i32
    %scan3A_7 = scf.for %scan3A_104 = %scan3A_3 to %scan3A_5 step %scan3A_6 iter_args(%scan3A_105 = %scan3A) -> (i32)  : i32 {
      %broadcast_in_dim3A = arith.constant 0.000000e+00 : f32
      %broadcast_in_dim3A_106 = vector.broadcast %broadcast_in_dim3A : f32 to vector<16xf32>
      %mul3A_107 = arith.constant 16 : i32
      %mul3A_108 = arith.muli %scan3A_104, %mul3A_107 : i32
      %swap3A = arith.index_cast %mul3A_108 : i32 to index
      %swap3A_109 = tpu.vector_load %arg8[%swap3A] {strides = array<i32>} : memref<20000xf32, #tpu.memory_space<vmem>>, vector<16xf32>,
      %swap3A_110 = vector.shape_cast %swap3A_109 : vector<16xf32> to vector<16xf32>
      %swap3A_111 = vector.shape_cast %broadcast_in_dim3A_106 : vector<16xf32> to vector<16xf32>
      tpu.vector_store %arg8[%swap3A], %swap3A_111 {strides = array<i32>} : memref<20000xf32, #tpu.memory_space<vmem>>, vector<16xf32>,
      %scan3A_112 = arith.constant 0 : i32
      scf.yield %scan3A_112 : i32
    }
    %scan3A_8 = arith.constant 1250 : i32
    %scan3A_9 = arith.constant 0 : i32
    %scan3A_10 = arith.constant 0 : i32
    %scan3A_11 = arith.constant 80 : i32
    %scan3A_12 = arith.addi %scan3A_10, %scan3A_11 : i32
    %scan3A_13 = arith.constant 1 : i32
    %scan3A_14 = scf.for %scan3A_104 = %scan3A_10 to %scan3A_12 step %scan3A_13 iter_args(%scan3A_105 = %scan3A_9) -> (i32)  : i32 {
      %mul3A_106 = arith.constant 20000 : i32
      %mul3A_107 = arith.muli %scan3A_104, %mul3A_106 : i32
      %add3A_108 = arith.addi %mul3A_2, %mul3A_107 : i32
      "tpu.region"() ({
        %run_scoped3A = tpu.sem_alloc : memref<!tpu.dma_semaphore, #tpu.memory_space<semaphore_mem>>
        %dma_start3A_110 = tpu.memref_slice %arg6[%add3A_108] : memref<51200000xf32, #tpu.memory_space<hbm>> -> memref<20000xf32, #tpu.memory_space<hbm>>
        %dma_start3A_111 = tpu.memref_slice %arg6[%add3A_108] : memref<51200000xf32, #tpu.memory_space<hbm>> -> memref<20000xf32, #tpu.memory_space<hbm>>
        tpu.enqueue_dma source(%arg8 : memref<20000xf32, #tpu.memory_space<vmem>>) target(%dma_start3A_111 : memref<20000xf32, #tpu.memory_space<hbm>>) target_semaphore(%run_scoped3A : memref<!tpu.dma_semaphore, #tpu.memory_space<semaphore_mem>>)
        %dma_wait3A_112 = tpu.memref_slice %arg6[%add3A_108] : memref<51200000xf32, #tpu.memory_space<hbm>> -> memref<20000xf32, #tpu.memory_space<hbm>>
        %dma_wait3A_113 = tpu.memref_slice %arg6[%add3A_108] : memref<51200000xf32, #tpu.memory_space<hbm>> -> memref<20000xf32, #tpu.memory_space<hbm>>
        tpu.wait_dma2 semaphore(%run_scoped3A : memref<!tpu.dma_semaphore, #tpu.memory_space<semaphore_mem>>) src(%arg8 : memref<20000xf32, #tpu.memory_space<vmem>>) dst(%dma_wait3A_113 : memref<20000xf32, #tpu.memory_space<hbm>>)
        tpu.yield
      }) : () -> ()
      %scan3A_109 = arith.constant 0 : i32
      scf.yield %scan3A_109 : i32
    }
    %scan3A_15 = arith.constant 80 : i32
    %mul3A_16 = arith.constant 2 : i32
    %mul3A_17 = arith.muli %add3A, %mul3A_16 : i32
    "tpu.region"() ({
      %run_scoped3A = tpu.sem_alloc : memref<!tpu.dma_semaphore, #tpu.memory_space<semaphore_mem>>
      %dma_start3A_104 = arith.constant 0 : i32
      %dma_start3A_105 = tpu.memref_slice %arg2[%mul3A_17, %dma_start3A_104] : memref<64x88xi32, #tpu.memory_space<hbm>> -> memref<2x88xi32, #tpu.memory_space<hbm>>
      %dma_start3A_106 = arith.constant 0 : i32
      %dma_start3A_107 = tpu.memref_slice %arg2[%mul3A_17, %dma_start3A_106] : memref<64x88xi32, #tpu.memory_space<hbm>> -> memref<2x88xi32, #tpu.memory_space<hbm>>
      tpu.enqueue_dma source(%dma_start3A_107 : memref<2x88xi32, #tpu.memory_space<hbm>>) target(%arg9 : memref<2x88xi32, #tpu.memory_space<vmem>>) target_semaphore(%run_scoped3A : memref<!tpu.dma_semaphore, #tpu.memory_space<semaphore_mem>>)
      %dma_wait3A_108 = arith.constant 0 : i32
      %dma_wait3A_109 = tpu.memref_slice %arg2[%mul3A_17, %dma_wait3A_108] : memref<64x88xi32, #tpu.memory_space<hbm>> -> memref<2x88xi32, #tpu.memory_space<hbm>>
      %dma_wait3A_110 = arith.constant 0 : i32
      %dma_wait3A_111 = tpu.memref_slice %arg2[%mul3A_17, %dma_wait3A_110] : memref<64x88xi32, #tpu.memory_space<hbm>> -> memref<2x88xi32, #tpu.memory_space<hbm>>
      tpu.wait_dma2 semaphore(%run_scoped3A : memref<!tpu.dma_semaphore, #tpu.memory_space<semaphore_mem>>) src(%dma_wait3A_111 : memref<2x88xi32, #tpu.memory_space<hbm>>) dst(%arg9 : memref<2x88xi32, #tpu.memory_space<vmem>>)
      tpu.yield
    }) : () -> ()
    %mul3A_18 = arith.constant 2 : i32
    %mul3A_19 = arith.muli %add3A, %mul3A_18 : i32
    "tpu.region"() ({
      %run_scoped3A = tpu.sem_alloc : memref<!tpu.dma_semaphore, #tpu.memory_space<semaphore_mem>>
      %dma_start3A_104 = arith.constant 0 : i32
      %dma_start3A_105 = tpu.memref_slice %arg3[%mul3A_19, %dma_start3A_104] : memref<64x88xi32, #tpu.memory_space<hbm>> -> memref<2x88xi32, #tpu.memory_space<hbm>>
      %dma_start3A_106 = arith.constant 0 : i32
      %dma_start3A_107 = tpu.memref_slice %arg3[%mul3A_19, %dma_start3A_106] : memref<64x88xi32, #tpu.memory_space<hbm>> -> memref<2x88xi32, #tpu.memory_space<hbm>>
      tpu.enqueue_dma source(%dma_start3A_107 : memref<2x88xi32, #tpu.memory_space<hbm>>) target(%arg10 : memref<2x88xi32, #tpu.memory_space<vmem>>) target_semaphore(%run_scoped3A : memref<!tpu.dma_semaphore, #tpu.memory_space<semaphore_mem>>)
      %dma_wait3A_108 = arith.constant 0 : i32
      %dma_wait3A_109 = tpu.memref_slice %arg3[%mul3A_19, %dma_wait3A_108] : memref<64x88xi32, #tpu.memory_space<hbm>> -> memref<2x88xi32, #tpu.memory_space<hbm>>
      %dma_wait3A_110 = arith.constant 0 : i32
      %dma_wait3A_111 = tpu.memref_slice %arg3[%mul3A_19, %dma_wait3A_110] : memref<64x88xi32, #tpu.memory_space<hbm>> -> memref<2x88xi32, #tpu.memory_space<hbm>>
      tpu.wait_dma2 semaphore(%run_scoped3A : memref<!tpu.dma_semaphore, #tpu.memory_space<semaphore_mem>>) src(%dma_wait3A_111 : memref<2x88xi32, #tpu.memory_space<hbm>>) dst(%arg10 : memref<2x88xi32, #tpu.memory_space<vmem>>)
      tpu.yield
    }) : () -> ()
    %mul3A_20 = arith.constant 2 : i32
    %mul3A_21 = arith.muli %add3A, %mul3A_20 : i32
    "tpu.region"() ({
      %run_scoped3A = tpu.sem_alloc : memref<!tpu.dma_semaphore, #tpu.memory_space<semaphore_mem>>
      %dma_start3A_104 = arith.constant 0 : i32
      %dma_start3A_105 = tpu.memref_slice %arg4[%mul3A_21, %dma_start3A_104] : memref<64x88xf32, #tpu.memory_space<hbm>> -> memref<2x88xf32, #tpu.memory_space<hbm>>
      %dma_start3A_106 = arith.constant 0 : i32
      %dma_start3A_107 = tpu.memref_slice %arg4[%mul3A_21, %dma_start3A_106] : memref<64x88xf32, #tpu.memory_space<hbm>> -> memref<2x88xf32, #tpu.memory_space<hbm>>
      tpu.enqueue_dma source(%dma_start3A_107 : memref<2x88xf32, #tpu.memory_space<hbm>>) target(%arg11 : memref<2x88xf32, #tpu.memory_space<vmem>>) target_semaphore(%run_scoped3A : memref<!tpu.dma_semaphore, #tpu.memory_space<semaphore_mem>>)
      %dma_wait3A_108 = arith.constant 0 : i32
      %dma_wait3A_109 = tpu.memref_slice %arg4[%mul3A_21, %dma_wait3A_108] : memref<64x88xf32, #tpu.memory_space<hbm>> -> memref<2x88xf32, #tpu.memory_space<hbm>>
      %dma_wait3A_110 = arith.constant 0 : i32
      %dma_wait3A_111 = tpu.memref_slice %arg4[%mul3A_21, %dma_wait3A_110] : memref<64x88xf32, #tpu.memory_space<hbm>> -> memref<2x88xf32, #tpu.memory_space<hbm>>
      tpu.wait_dma2 semaphore(%run_scoped3A : memref<!tpu.dma_semaphore, #tpu.memory_space<semaphore_mem>>) src(%dma_wait3A_111 : memref<2x88xf32, #tpu.memory_space<hbm>>) dst(%arg11 : memref<2x88xf32, #tpu.memory_space<vmem>>)
      tpu.yield
    }) : () -> ()
    %dma_start3A = arith.constant 0 : i32
    %dma_start3A_22 = arith.constant 0 : i32
    %dma_start3A_23 = arith.constant 0 : i32
    %dma_start3A_24 = tpu.memref_slice %arg11[%dma_start3A, %dma_start3A_23] : memref<2x88xf32, #tpu.memory_space<vmem>> -> memref<1x88xf32, #tpu.memory_space<vmem>>
    %dma_start3A_25 = tpu.memref_squeeze %dma_start3A_24 : memref<1x88xf32, #tpu.memory_space<vmem>> -> memref<88xf32, #tpu.memory_space<vmem>>
    %dma_start3A_26 = arith.constant 0 : i32
    %dma_start3A_27 = tpu.memref_slice %arg9[%dma_start3A_22, %dma_start3A_26] : memref<2x88xi32, #tpu.memory_space<vmem>> -> memref<1x88xi32, #tpu.memory_space<vmem>>
    %dma_start3A_28 = tpu.memref_squeeze %dma_start3A_27 : memref<1x88xi32, #tpu.memory_space<vmem>> -> memref<88xi32, #tpu.memory_space<vmem>>
    %dma_start3A_29 = arith.constant 0 : i32
    %dma_start3A_30 = tpu.memref_slice %arg6[%dma_start3A_29] : memref<51200000xf32, #tpu.memory_space<hbm>> -> memref<51200000xf32, #tpu.memory_space<hbm>>
    tpu.enqueue_indirect_dma source(%dma_start3A_25 : memref<88xf32, #tpu.memory_space<vmem>>) target(%dma_start3A_30 : memref<51200000xf32, #tpu.memory_space<hbm>>) offsets(%dma_start3A_28 : memref<88xi32, #tpu.memory_space<vmem>>) semaphore(%arg13 : memref<!tpu.dma_semaphore, #tpu.memory_space<semaphore_mem>>)
    %dma_wait3A = arith.constant 0 : i32
    %dma_wait3A_31 = arith.constant 0 : i32
    %dma_wait3A_32 = arith.constant 0 : i32
    %dma_wait3A_33 = tpu.memref_slice %arg11[%dma_wait3A, %dma_wait3A_32] : memref<2x88xf32, #tpu.memory_space<vmem>> -> memref<1x88xf32, #tpu.memory_space<vmem>>
    %dma_wait3A_34 = tpu.memref_squeeze %dma_wait3A_33 : memref<1x88xf32, #tpu.memory_space<vmem>> -> memref<88xf32, #tpu.memory_space<vmem>>
    %dma_wait3A_35 = arith.constant 0 : i32
    %dma_wait3A_36 = tpu.memref_slice %arg9[%dma_wait3A_31, %dma_wait3A_35] : memref<2x88xi32, #tpu.memory_space<vmem>> -> memref<1x88xi32, #tpu.memory_space<vmem>>
    %dma_wait3A_37 = tpu.memref_squeeze %dma_wait3A_36 : memref<1x88xi32, #tpu.memory_space<vmem>> -> memref<88xi32, #tpu.memory_space<vmem>>
    %dma_wait3A_38 = arith.constant 0 : i32
    %dma_wait3A_39 = tpu.memref_slice %arg6[%dma_wait3A_38] : memref<51200000xf32, #tpu.memory_space<hbm>> -> memref<51200000xf32, #tpu.memory_space<hbm>>
    tpu.wait_indirect_dma semaphore(%arg13 : memref<!tpu.dma_semaphore, #tpu.memory_space<semaphore_mem>>) src(%dma_wait3A_34 : memref<88xf32, #tpu.memory_space<vmem>>) dst(%dma_wait3A_39 : memref<51200000xf32, #tpu.memory_space<hbm>>)
    %dma_start3A_40 = arith.constant 0 : i32
    %dma_start3A_41 = arith.constant 0 : i32
    %dma_start3A_42 = arith.constant 0 : i32
    %dma_start3A_43 = tpu.memref_slice %arg12[%dma_start3A_41, %dma_start3A_42] : memref<176x128xf32, #tpu.memory_space<vmem>> -> memref<88x128xf32, #tpu.memory_space<vmem>>
    %dma_start3A_44 = arith.constant 0 : i32
    %dma_start3A_45 = tpu.memref_slice %arg10[%dma_start3A_40, %dma_start3A_44] : memref<2x88xi32, #tpu.memory_space<vmem>> -> memref<1x88xi32, #tpu.memory_space<vmem>>
    %dma_start3A_46 = tpu.memref_squeeze %dma_start3A_45 : memref<1x88xi32, #tpu.memory_space<vmem>> -> memref<88xi32, #tpu.memory_space<vmem>>
    %dma_start3A_47 = arith.constant 0 : i32
    %dma_start3A_48 = arith.constant 0 : i32
    %dma_start3A_49 = tpu.memref_slice %arg5[%dma_start3A_47, %dma_start3A_48] : memref<100000x128xf32, #tpu.memory_space<hbm>> -> memref<100000x128xf32, #tpu.memory_space<hbm>>
    tpu.enqueue_indirect_dma source(%dma_start3A_49 : memref<100000x128xf32, #tpu.memory_space<hbm>>) target(%dma_start3A_43 : memref<88x128xf32, #tpu.memory_space<vmem>>) offsets(%dma_start3A_46 : memref<88xi32, #tpu.memory_space<vmem>>) semaphore(%arg13 : memref<!tpu.dma_semaphore, #tpu.memory_space<semaphore_mem>>)
    %dma_wait3A_50 = arith.constant 0 : i32
    %dma_wait3A_51 = arith.constant 0 : i32
    %dma_wait3A_52 = arith.constant 0 : i32
    %dma_wait3A_53 = tpu.memref_slice %arg12[%dma_wait3A_51, %dma_wait3A_52] : memref<176x128xf32, #tpu.memory_space<vmem>> -> memref<88x128xf32, #tpu.memory_space<vmem>>
    %dma_wait3A_54 = arith.constant 0 : i32
    %dma_wait3A_55 = tpu.memref_slice %arg10[%dma_wait3A_50, %dma_wait3A_54] : memref<2x88xi32, #tpu.memory_space<vmem>> -> memref<1x88xi32, #tpu.memory_space<vmem>>
    %dma_wait3A_56 = tpu.memref_squeeze %dma_wait3A_55 : memref<1x88xi32, #tpu.memory_space<vmem>> -> memref<88xi32, #tpu.memory_space<vmem>>
    %dma_wait3A_57 = arith.constant 0 : i32
    %dma_wait3A_58 = arith.constant 0 : i32
    %dma_wait3A_59 = tpu.memref_slice %arg5[%dma_wait3A_57, %dma_wait3A_58] : memref<100000x128xf32, #tpu.memory_space<hbm>> -> memref<100000x128xf32, #tpu.memory_space<hbm>>
    tpu.wait_indirect_dma semaphore(%arg13 : memref<!tpu.dma_semaphore, #tpu.memory_space<semaphore_mem>>) src(%dma_wait3A_59 : memref<100000x128xf32, #tpu.memory_space<hbm>>) dst(%dma_wait3A_53 : memref<88x128xf32, #tpu.memory_space<vmem>>)
    %dma_start3A_60 = arith.constant 1 : i32
    %dma_start3A_61 = arith.constant 1 : i32
    %dma_start3A_62 = arith.constant 0 : i32
    %dma_start3A_63 = tpu.memref_slice %arg11[%dma_start3A_60, %dma_start3A_62] : memref<2x88xf32, #tpu.memory_space<vmem>> -> memref<1x88xf32, #tpu.memory_space<vmem>>
    %dma_start3A_64 = tpu.memref_squeeze %dma_start3A_63 : memref<1x88xf32, #tpu.memory_space<vmem>> -> memref<88xf32, #tpu.memory_space<vmem>>
    %dma_start3A_65 = arith.constant 0 : i32
    %dma_start3A_66 = tpu.memref_slice %arg9[%dma_start3A_61, %dma_start3A_65] : memref<2x88xi32, #tpu.memory_space<vmem>> -> memref<1x88xi32, #tpu.memory_space<vmem>>
    %dma_start3A_67 = tpu.memref_squeeze %dma_start3A_66 : memref<1x88xi32, #tpu.memory_space<vmem>> -> memref<88xi32, #tpu.memory_space<vmem>>
    %dma_start3A_68 = arith.constant 0 : i32
    %dma_start3A_69 = tpu.memref_slice %arg6[%dma_start3A_68] : memref<51200000xf32, #tpu.memory_space<hbm>> -> memref<51200000xf32, #tpu.memory_space<hbm>>
    tpu.enqueue_indirect_dma source(%dma_start3A_64 : memref<88xf32, #tpu.memory_space<vmem>>) target(%dma_start3A_69 : memref<51200000xf32, #tpu.memory_space<hbm>>) offsets(%dma_start3A_67 : memref<88xi32, #tpu.memory_space<vmem>>) semaphore(%arg13 : memref<!tpu.dma_semaphore, #tpu.memory_space<semaphore_mem>>)
    %dma_wait3A_70 = arith.constant 1 : i32
    %dma_wait3A_71 = arith.constant 1 : i32
    %dma_wait3A_72 = arith.constant 0 : i32
    %dma_wait3A_73 = tpu.memref_slice %arg11[%dma_wait3A_70, %dma_wait3A_72] : memref<2x88xf32, #tpu.memory_space<vmem>> -> memref<1x88xf32, #tpu.memory_space<vmem>>
    %dma_wait3A_74 = tpu.memref_squeeze %dma_wait3A_73 : memref<1x88xf32, #tpu.memory_space<vmem>> -> memref<88xf32, #tpu.memory_space<vmem>>
    %dma_wait3A_75 = arith.constant 0 : i32
    %dma_wait3A_76 = tpu.memref_slice %arg9[%dma_wait3A_71, %dma_wait3A_75] : memref<2x88xi32, #tpu.memory_space<vmem>> -> memref<1x88xi32, #tpu.memory_space<vmem>>
    %dma_wait3A_77 = tpu.memref_squeeze %dma_wait3A_76 : memref<1x88xi32, #tpu.memory_space<vmem>> -> memref<88xi32, #tpu.memory_space<vmem>>
    %dma_wait3A_78 = arith.constant 0 : i32
    %dma_wait3A_79 = tpu.memref_slice %arg6[%dma_wait3A_78] : memref<51200000xf32, #tpu.memory_space<hbm>> -> memref<51200000xf32, #tpu.memory_space<hbm>>
    tpu.wait_indirect_dma semaphore(%arg13 : memref<!tpu.dma_semaphore, #tpu.memory_space<semaphore_mem>>) src(%dma_wait3A_74 : memref<88xf32, #tpu.memory_space<vmem>>) dst(%dma_wait3A_79 : memref<51200000xf32, #tpu.memory_space<hbm>>)
    %dma_start3A_80 = arith.constant 1 : i32
    %dma_start3A_81 = arith.constant 88 : i32
    %dma_start3A_82 = arith.constant 0 : i32
    %dma_start3A_83 = tpu.memref_slice %arg12[%dma_start3A_81, %dma_start3A_82] : memref<176x128xf32, #tpu.memory_space<vmem>> -> memref<88x128xf32, #tpu.memory_space<vmem>>
    %dma_start3A_84 = arith.constant 0 : i32
    %dma_start3A_85 = tpu.memref_slice %arg10[%dma_start3A_80, %dma_start3A_84] : memref<2x88xi32, #tpu.memory_space<vmem>> -> memref<1x88xi32, #tpu.memory_space<vmem>>
    %dma_start3A_86 = tpu.memref_squeeze %dma_start3A_85 : memref<1x88xi32, #tpu.memory_space<vmem>> -> memref<88xi32, #tpu.memory_space<vmem>>
    %dma_start3A_87 = arith.constant 0 : i32
    %dma_start3A_88 = arith.constant 0 : i32
    %dma_start3A_89 = tpu.memref_slice %arg5[%dma_start3A_87, %dma_start3A_88] : memref<100000x128xf32, #tpu.memory_space<hbm>> -> memref<100000x128xf32, #tpu.memory_space<hbm>>
    tpu.enqueue_indirect_dma source(%dma_start3A_89 : memref<100000x128xf32, #tpu.memory_space<hbm>>) target(%dma_start3A_83 : memref<88x128xf32, #tpu.memory_space<vmem>>) offsets(%dma_start3A_86 : memref<88xi32, #tpu.memory_space<vmem>>) semaphore(%arg13 : memref<!tpu.dma_semaphore, #tpu.memory_space<semaphore_mem>>)
    %dma_wait3A_90 = arith.constant 1 : i32
    %dma_wait3A_91 = arith.constant 88 : i32
    %dma_wait3A_92 = arith.constant 0 : i32
    %dma_wait3A_93 = tpu.memref_slice %arg12[%dma_wait3A_91, %dma_wait3A_92] : memref<176x128xf32, #tpu.memory_space<vmem>> -> memref<88x128xf32, #tpu.memory_space<vmem>>
    %dma_wait3A_94 = arith.constant 0 : i32
    %dma_wait3A_95 = tpu.memref_slice %arg10[%dma_wait3A_90, %dma_wait3A_94] : memref<2x88xi32, #tpu.memory_space<vmem>> -> memref<1x88xi32, #tpu.memory_space<vmem>>
    %dma_wait3A_96 = tpu.memref_squeeze %dma_wait3A_95 : memref<1x88xi32, #tpu.memory_space<vmem>> -> memref<88xi32, #tpu.memory_space<vmem>>
    %dma_wait3A_97 = arith.constant 0 : i32
    %dma_wait3A_98 = arith.constant 0 : i32
    %dma_wait3A_99 = tpu.memref_slice %arg5[%dma_wait3A_97, %dma_wait3A_98] : memref<100000x128xf32, #tpu.memory_space<hbm>> -> memref<100000x128xf32, #tpu.memory_space<hbm>>
    tpu.wait_indirect_dma semaphore(%arg13 : memref<!tpu.dma_semaphore, #tpu.memory_space<semaphore_mem>>) src(%dma_wait3A_99 : memref<100000x128xf32, #tpu.memory_space<hbm>>) dst(%dma_wait3A_93 : memref<88x128xf32, #tpu.memory_space<vmem>>)
    %mul3A_100 = arith.constant 2 : i32
    %mul3A_101 = arith.muli %add3A, %mul3A_100 : i32
    %mul3A_102 = arith.constant 88 : i32
    %mul3A_103 = arith.muli %mul3A_101, %mul3A_102 : i32
    "tpu.region"() ({
      %run_scoped3A = tpu.sem_alloc : memref<!tpu.dma_semaphore, #tpu.memory_space<semaphore_mem>>
      %dma_start3A_104 = arith.constant 0 : i32
      %dma_start3A_105 = tpu.memref_slice %arg7[%mul3A_103, %dma_start3A_104] : memref<5632x128xf32, #tpu.memory_space<hbm>> -> memref<176x128xf32, #tpu.memory_space<hbm>>
      %dma_start3A_106 = arith.constant 0 : i32
      %dma_start3A_107 = tpu.memref_slice %arg7[%mul3A_103, %dma_start3A_106] : memref<5632x128xf32, #tpu.memory_space<hbm>> -> memref<176x128xf32, #tpu.memory_space<hbm>>
      tpu.enqueue_dma source(%arg12 : memref<176x128xf32, #tpu.memory_space<vmem>>) target(%dma_start3A_107 : memref<176x128xf32, #tpu.memory_space<hbm>>) target_semaphore(%run_scoped3A : memref<!tpu.dma_semaphore, #tpu.memory_space<semaphore_mem>>)
      %dma_wait3A_108 = arith.constant 0 : i32
      %dma_wait3A_109 = tpu.memref_slice %arg7[%mul3A_103, %dma_wait3A_108] : memref<5632x128xf32, #tpu.memory_space<hbm>> -> memref<176x128xf32, #tpu.memory_space<hbm>>
      %dma_wait3A_110 = arith.constant 0 : i32
      %dma_wait3A_111 = tpu.memref_slice %arg7[%mul3A_103, %dma_wait3A_110] : memref<5632x128xf32, #tpu.memory_space<hbm>> -> memref<176x128xf32, #tpu.memory_space<hbm>>
      tpu.wait_dma2 semaphore(%run_scoped3A : memref<!tpu.dma_semaphore, #tpu.memory_space<semaphore_mem>>) src(%arg12 : memref<176x128xf32, #tpu.memory_space<vmem>>) dst(%dma_wait3A_111 : memref<176x128xf32, #tpu.memory_space<hbm>>)
      tpu.yield
    }) : () -> ()
    return
  }
}

module attributes {stable_mosaic.version = 14 : i64} {
  func.func @_topk_body(%arg0: i32, %arg1: memref<8x4x64x128xf32, #tpu.memory_space<vmem>>, %arg2: memref<128x128xf32, #tpu.memory_space<vmem>>, %arg3: memref<1x128xf32, #tpu.memory_space<vmem>>, %arg4: memref<128x8xf32, #tpu.memory_space<vmem>>, %arg5: memref<2048x128xf32, #tpu.memory_space<vmem>>, %arg6: memref<2048x128xf32, #tpu.memory_space<vmem>>, %arg7: memref<2048x8xf32, #tpu.memory_space<vmem>>, %arg8: memref<512x16xf32, #tpu.memory_space<vmem>>, %arg9: memref<512x16xi32, #tpu.memory_space<vmem>>, %arg10: memref<512x16xi32, #tpu.memory_space<vmem>>, %arg11: memref<512x128xf32, #tpu.memory_space<vmem>>, %arg12: memref<512x128xf32, #tpu.memory_space<vmem>>, %arg13: memref<512x128xi32, #tpu.memory_space<vmem>>, %arg14: memref<512x2048xf32, #tpu.memory_space<vmem>>) attributes {dimension_semantics = [#tpu.dimension_semantics<arbitrary>], iteration_bounds = array<i64: 49>, scalar_prefetch = 0 : i64, scratch_operands = 4 : i64, tpu.core_type = #tpu.core_type<tc>, window_params = [{pipeline_mode = #tpu.pipeline_mode<synchronous>, transform_indices = @transform_0, window_bounds = array<i64: 8, 4, 64, 128>}, {pipeline_mode = #tpu.pipeline_mode<synchronous>, transform_indices = @transform_1, window_bounds = array<i64: 128, 128>}, {pipeline_mode = #tpu.pipeline_mode<synchronous>, transform_indices = @transform_2, window_bounds = array<i64: 1, 128>}, {pipeline_mode = #tpu.pipeline_mode<synchronous>, transform_indices = @transform_3, window_bounds = array<i64: 128, 8>}, {transform_indices = @transform_4, window_bounds = array<i64: 2048, 128>}, {transform_indices = @transform_5, window_bounds = array<i64: 2048, 128>}, {transform_indices = @transform_6, window_bounds = array<i64: 2048, 8>}, {pipeline_mode = #tpu.pipeline_mode<synchronous>, transform_indices = @transform_7, window_bounds = array<i64: 512, 16>}, {pipeline_mode = #tpu.pipeline_mode<synchronous>, transform_indices = @transform_8, window_bounds = array<i64: 512, 16>}, {pipeline_mode = #tpu.pipeline_mode<synchronous>, transform_indices = @transform_9, window_bounds = array<i64: 512, 16>}]} {
    %mul3A = arith.constant 2048 : i32
    %mul3A_0 = arith.muli %arg0, %mul3A : i32
    %iota3A = tpu.iota {dimensions = array<i32: 1>} : vector<512x128xi32>
    %eq3A = arith.constant 0 : i32
    %eq3A_1 = arith.cmpi eq, %arg0, %eq3A : i32
    %convert_element_type3A = arith.extui %eq3A_1 : i1 to i32
    %cond3A = arith.constant 0 : i32
    %cond3A_2 = arith.cmpi ne, %convert_element_type3A, %cond3A : i32
    scf.if %cond3A_2 {
      %get3A_49 = arith.constant 0 : index
      %get3A_50 = arith.constant 0 : index
      %get3A_51 = arith.constant 0 : index
      %get3A_52 = arith.constant 0 : index
      %get3A_53 = vector.load %arg1[%get3A_49, %get3A_50, %get3A_51, %get3A_52] : memref<8x4x64x128xf32, #tpu.memory_space<vmem>>, vector<8x4x64x128xf32>
      %reduce_sum3A_54 = arith.constant dense<0.000000e+00> : vector<8x64x128xf32>
      %reduce_sum3A_55 = vector.multi_reduction <add>, %get3A_53, %reduce_sum3A_54 [1] : vector<8x4x64x128xf32> to vector<8x64x128xf32>
      %div3A_56 = arith.constant 4.000000e+00 : f32
      %div3A_57 = vector.broadcast %div3A_56 : f32 to vector<8x64x128xf32>
      %div3A_58 = arith.divf %reduce_sum3A_55, %div3A_57 : vector<8x64x128xf32>
      %reshape3A = vector.shape_cast %div3A_58 : vector<8x64x128xf32> to vector<512x128xf32>
      %get3A_59 = arith.constant 0 : index
      %get3A_60 = arith.constant 0 : index
      %get3A_61 = vector.load %arg2[%get3A_59, %get3A_60] : memref<128x128xf32, #tpu.memory_space<vmem>>, vector<128x128xf32>
      %dot_general3A_62 = arith.constant dense<0.000000e+00> : vector<512x128xf32>
      %dot_general3A_63 = tpu.matmul %reshape3A, %get3A_61, %dot_general3A_62 {dimension_numbers = #tpu.dot_dimension_numbers<[1], [1], [0], [0], [0, 0, 1, 0], [], []>, transpose_lhs_hint = false} : vector<512x128xf32>, vector<128x128xf32>, vector<512x128xf32> -> vector<512x128xf32>
      %get3A_64 = arith.constant 0 : index
      %get3A_65 = arith.constant 0 : index
      %get3A_66 = vector.load %arg3[%get3A_64, %get3A_65] : memref<1x128xf32, #tpu.memory_space<vmem>>, vector<1x128xf32>
      %add3A_67 = vector.broadcast %get3A_66 : vector<1x128xf32> to vector<512x128xf32>
      %add3A_68 = arith.addf %dot_general3A_63, %add3A_67 : vector<512x128xf32>
      %tanh3A = math.tanh %add3A_68 : vector<512x128xf32>
      %swap3A_69 = arith.constant 0 : index
      %swap3A_70 = arith.constant 0 : index
      %swap3A_71 = vector.load %arg11[%swap3A_69, %swap3A_70] : memref<512x128xf32, #tpu.memory_space<vmem>>, vector<512x128xf32>
      tpu.vector_store %arg11[%swap3A_69, %swap3A_70], %tanh3A {strides = array<i32>} : memref<512x128xf32, #tpu.memory_space<vmem>>, vector<512x128xf32>,
      %broadcast_in_dim3A_72 = arith.constant 0xFF800000 : f32
      %broadcast_in_dim3A_73 = vector.broadcast %broadcast_in_dim3A_72 : f32 to vector<512x128xf32>
      %swap3A_74 = arith.constant 0 : index
      %swap3A_75 = arith.constant 0 : index
      %swap3A_76 = vector.load %arg12[%swap3A_74, %swap3A_75] : memref<512x128xf32, #tpu.memory_space<vmem>>, vector<512x128xf32>
      tpu.vector_store %arg12[%swap3A_74, %swap3A_75], %broadcast_in_dim3A_73 {strides = array<i32>} : memref<512x128xf32, #tpu.memory_space<vmem>>, vector<512x128xf32>,
      %broadcast_in_dim3A_77 = arith.constant 0 : i32
      %broadcast_in_dim3A_78 = vector.broadcast %broadcast_in_dim3A_77 : i32 to vector<512x128xi32>
      %swap3A_79 = arith.constant 0 : index
      %swap3A_80 = arith.constant 0 : index
      %swap3A_81 = vector.load %arg13[%swap3A_79, %swap3A_80] : memref<512x128xi32, #tpu.memory_space<vmem>>, vector<512x128xi32>
      tpu.vector_store %arg13[%swap3A_79, %swap3A_80], %broadcast_in_dim3A_78 {strides = array<i32>} : memref<512x128xi32, #tpu.memory_space<vmem>>, vector<512x128xi32>,
    } else {
    }
    %iota3A_3 = tpu.iota {dimensions = array<i32: 0>} : vector<2048x128xi32>
    %add3A = vector.broadcast %mul3A_0 : i32 to vector<2048x128xi32>
    %add3A_4 = arith.addi %add3A, %iota3A_3 : vector<2048x128xi32>
    %lt3A = arith.constant 100000 : i32
    %lt3A_5 = vector.broadcast %lt3A : i32 to vector<2048x128xi32>
    %lt3A_6 = arith.cmpi slt, %add3A_4, %lt3A_5 : vector<2048x128xi32>
    %get3A = arith.constant 0 : index
    %get3A_7 = arith.constant 0 : index
    %get3A_8 = vector.load %arg6[%get3A, %get3A_7] : memref<2048x128xf32, #tpu.memory_space<vmem>>, vector<2048x128xf32>
    %jit3A = arith.constant 0.000000e+00 : f32
    %broadcast_in_dim3A = vector.broadcast %jit3A : f32 to vector<2048x128xf32>
    %select_n3A = arith.select %lt3A_6, %get3A_8, %broadcast_in_dim3A : vector<2048x128xi1>, vector<2048x128xf32>
    %iota3A_9 = tpu.iota {dimensions = array<i32: 1>} : vector<512x2048xi32>
    %add3A_10 = vector.broadcast %mul3A_0 : i32 to vector<512x2048xi32>
    %add3A_11 = arith.addi %add3A_10, %iota3A_9 : vector<512x2048xi32>
    %get3A_12 = arith.constant 0 : index
    %get3A_13 = arith.constant 0 : index
    %get3A_14 = vector.load %arg11[%get3A_12, %get3A_13] : memref<512x128xf32, #tpu.memory_space<vmem>>, vector<512x128xf32>
    %get3A_15 = arith.constant 0 : index
    %get3A_16 = arith.constant 0 : index
    %get3A_17 = vector.load %arg5[%get3A_15, %get3A_16] : memref<2048x128xf32, #tpu.memory_space<vmem>>, vector<2048x128xf32>
    %dot_general3A = arith.constant dense<0.000000e+00> : vector<512x2048xf32>
    %dot_general3A_18 = tpu.matmul %get3A_14, %get3A_17, %dot_general3A {dimension_numbers = #tpu.dot_dimension_numbers<[1], [1], [0], [0], [0, 0, 1, 0], [], []>, transpose_lhs_hint = false} : vector<512x128xf32>, vector<2048x128xf32>, vector<512x2048xf32> -> vector<512x2048xf32>
    %lt3A_19 = arith.constant 100000 : i32
    %lt3A_20 = vector.broadcast %lt3A_19 : i32 to vector<512x2048xi32>
    %lt3A_21 = arith.cmpi slt, %add3A_11, %lt3A_20 : vector<512x2048xi32>
    %jit3A_22 = arith.constant 0xFF800000 : f32
    %broadcast_in_dim3A_23 = vector.broadcast %jit3A_22 : f32 to vector<512x2048xf32>
    %select_n3A_24 = arith.select %lt3A_21, %dot_general3A_18, %broadcast_in_dim3A_23 : vector<512x2048xi1>, vector<512x2048xf32>
    %swap3A = arith.constant 0 : index
    %swap3A_25 = arith.constant 0 : index
    %swap3A_26 = vector.load %arg14[%swap3A, %swap3A_25] : memref<512x2048xf32, #tpu.memory_space<vmem>>, vector<512x2048xf32>
    tpu.vector_store %arg14[%swap3A, %swap3A_25], %select_n3A_24 {strides = array<i32>} : memref<512x2048xf32, #tpu.memory_space<vmem>>, vector<512x2048xf32>,
    %get3A_27 = arith.constant 0 : index
    %get3A_28 = arith.constant 0 : index
    %get3A_29 = vector.load %arg4[%get3A_27, %get3A_28] : memref<128x8xf32, #tpu.memory_space<vmem>>, vector<128x8xf32>
    %dot_general3A_30 = arith.constant dense<0.000000e+00> : vector<2048x8xf32>
    %dot_general3A_31 = tpu.matmul %select_n3A, %get3A_29, %dot_general3A_30 {dimension_numbers = #tpu.dot_dimension_numbers<[1], [0], [0], [1], [0, 0, 1, 1], [], []>, transpose_lhs_hint = false} : vector<2048x128xf32>, vector<128x8xf32>, vector<2048x8xf32> -> vector<2048x8xf32>
    %reduce_max3A = arith.constant dense<0xFF800000> : vector<2048xf32>
    %reduce_max3A_32 = vector.multi_reduction <maximumf>, %dot_general3A_31, %reduce_max3A [1] : vector<2048x8xf32> to vector<2048xf32>
    %max3A = arith.constant 0xFF800000 : f32
    %max3A_33 = vector.broadcast %max3A : f32 to vector<2048xf32>
    %max3A_34 = arith.maximumf %max3A_33, %reduce_max3A_32 : vector<2048xf32>
    %broadcast_in_dim3A_35 = vector.shape_cast %max3A_34 : vector<2048xf32> to vector<2048x1xf32>
    %sub3A = vector.broadcast %broadcast_in_dim3A_35 : vector<2048x1xf32> to vector<2048x8xf32>
    %sub3A_36 = arith.subf %dot_general3A_31, %sub3A : vector<2048x8xf32>
    %exp3A = math.exp %sub3A_36 : vector<2048x8xf32>
    %reduce_sum3A = arith.constant dense<0.000000e+00> : vector<2048xf32>
    %reduce_sum3A_37 = vector.multi_reduction <add>, %exp3A, %reduce_sum3A [1] : vector<2048x8xf32> to vector<2048xf32>
    %broadcast_in_dim3A_38 = vector.shape_cast %reduce_sum3A_37 : vector<2048xf32> to vector<2048x1xf32>
    %div3A = vector.broadcast %broadcast_in_dim3A_38 : vector<2048x1xf32> to vector<2048x8xf32>
    %div3A_39 = arith.divf %exp3A, %div3A : vector<2048x8xf32>
    %swap3A_40 = arith.constant 0 : index
    %swap3A_41 = arith.constant 0 : index
    %swap3A_42 = vector.load %arg7[%swap3A_40, %swap3A_41] : memref<2048x8xf32, #tpu.memory_space<vmem>>, vector<2048x8xf32>
    tpu.vector_store %arg7[%swap3A_40, %swap3A_41], %div3A_39 {strides = array<i32>} : memref<2048x8xf32, #tpu.memory_space<vmem>>, vector<2048x8xf32>,
    %while3A = arith.constant true
    %while3A_43 = scf.while (%while3A_49 = %while3A) : (i1) -> i1 {
      scf.condition(%while3A_49) %while3A_49 : i1
    } do {
    ^bb0(%while3A_49: i1):
      %get3A_50 = arith.constant 0 : index
      %get3A_51 = arith.constant 0 : index
      %get3A_52 = vector.load %arg14[%get3A_50, %get3A_51] : memref<512x2048xf32, #tpu.memory_space<vmem>>, vector<512x2048xf32>
      %reduce_max3A_53 = arith.constant dense<0xFF800000> : vector<512xf32>
      %reduce_max3A_54 = vector.multi_reduction <maximumf>, %get3A_52, %reduce_max3A_53 [1] : vector<512x2048xf32> to vector<512xf32>
      %broadcast_in_dim3A_55 = vector.shape_cast %reduce_max3A_54 : vector<512xf32> to vector<512x1xf32>
      %get3A_56 = arith.constant 0 : index
      %get3A_57 = arith.constant 0 : index
      %get3A_58 = vector.load %arg12[%get3A_56, %get3A_57] : memref<512x128xf32, #tpu.memory_space<vmem>>, vector<512x128xf32>
      %slice3A = vector.extract_strided_slice %get3A_58 {offsets = [0, 10], sizes = [512, 1], strides = [1, 1]} : vector<512x128xf32> to vector<512x1xf32>
      %gt3A = arith.cmpf ogt, %broadcast_in_dim3A_55, %slice3A : vector<512x1xf32>
      %reduce_or3A = arith.constant 1.000000e+00 : f32
      %reduce_or3A_59 = arith.constant 0.000000e+00 : f32
      %reduce_or3A_60 = vector.broadcast %reduce_or3A : f32 to vector<512x1xf32>
      %reduce_or3A_61 = vector.broadcast %reduce_or3A_59 : f32 to vector<512x1xf32>
      %reduce_or3A_62 = arith.select %gt3A, %reduce_or3A_60, %reduce_or3A_61 : vector<512x1xi1>, vector<512x1xf32>
      %reduce_or3A_63 = vector.shape_cast %reduce_or3A_62 : vector<512x1xf32> to vector<1x512x1xf32>
      %reduce_or3A_64 = arith.constant dense<0xFF800000> : vector<1xf32>
      %reduce_or3A_65 = vector.multi_reduction <maximumf>, %reduce_or3A_63, %reduce_or3A_64 [1, 2] : vector<1x512x1xf32> to vector<1xf32>
      %reduce_or3A_66 = vector.shape_cast %reduce_or3A_65 : vector<1xf32> to vector<1x1x1xf32>
      %reduce_or3A_67 = vector.extract %reduce_or3A_66[0, 0, 0] : f32 from vector<1x1x1xf32>
      %reduce_or3A_68 = arith.constant 0.000000e+00 : f32
      %reduce_or3A_69 = arith.cmpf ogt, %reduce_or3A_67, %reduce_or3A_68 : f32
      %convert_element_type3A_70 = arith.extui %reduce_or3A_69 : i1 to i32
      %cond3A_71 = arith.constant 0 : i32
      %cond3A_72 = arith.cmpi ne, %convert_element_type3A_70, %cond3A_71 : i32
      scf.if %cond3A_72 {
        %get3A_73 = arith.constant 0 : index
        %get3A_74 = arith.constant 0 : index
        %get3A_75 = vector.load %arg13[%get3A_73, %get3A_74] : memref<512x128xi32, #tpu.memory_space<vmem>>, vector<512x128xi32>
        %eq3A_76 = vector.broadcast %broadcast_in_dim3A_55 : vector<512x1xf32> to vector<512x2048xf32>
        %eq3A_77 = arith.cmpf oeq, %get3A_52, %eq3A_76 : vector<512x2048xf32>
        %jit3A_78 = arith.constant 1073741824 : i32
        %broadcast_in_dim3A_79 = vector.broadcast %jit3A_78 : i32 to vector<512x2048xi32>
        %select_n3A_80 = arith.select %eq3A_77, %add3A_11, %broadcast_in_dim3A_79 : vector<512x2048xi1>, vector<512x2048xi32>
        %reduce_min3A = arith.constant dense<2147483647> : vector<512xi32>
        %reduce_min3A_81 = vector.multi_reduction <minsi>, %select_n3A_80, %reduce_min3A [1] : vector<512x2048xi32> to vector<512xi32>
        %broadcast_in_dim3A_82 = vector.shape_cast %reduce_min3A_81 : vector<512xi32> to vector<512x1xi32>
        %eq3A_83 = vector.broadcast %broadcast_in_dim3A_82 : vector<512x1xi32> to vector<512x2048xi32>
        %eq3A_84 = arith.cmpi eq, %add3A_11, %eq3A_83 : vector<512x2048xi32>
        %jit3A_85 = arith.constant 0xFF800000 : f32
        %broadcast_in_dim3A_86 = vector.broadcast %jit3A_85 : f32 to vector<512x2048xf32>
        %select_n3A_87 = arith.select %eq3A_84, %broadcast_in_dim3A_86, %get3A_52 : vector<512x2048xi1>, vector<512x2048xf32>
        %swap3A_88 = arith.constant 0 : index
        %swap3A_89 = arith.constant 0 : index
        %swap3A_90 = vector.load %arg14[%swap3A_88, %swap3A_89] : memref<512x2048xf32, #tpu.memory_space<vmem>>, vector<512x2048xf32>
        tpu.vector_store %arg14[%swap3A_88, %swap3A_89], %select_n3A_87 {strides = array<i32>} : memref<512x2048xf32, #tpu.memory_space<vmem>>, vector<512x2048xf32>,
        %ge3A = vector.broadcast %broadcast_in_dim3A_55 : vector<512x1xf32> to vector<512x128xf32>
        %ge3A_91 = arith.cmpf oge, %get3A_58, %ge3A : vector<512x128xf32>
        %lt3A_92 = arith.constant 11 : i32
        %lt3A_93 = vector.broadcast %lt3A_92 : i32 to vector<512x128xi32>
        %lt3A_94 = arith.cmpi slt, %iota3A, %lt3A_93 : vector<512x128xi32>
        %and3A = arith.andi %ge3A_91, %lt3A_94 : vector<512x128xi1>
        %jit3A_95 = arith.constant 1 : i32
        %jit3A_96 = arith.constant 0 : i32
        %broadcast_in_dim3A_97 = vector.broadcast %jit3A_95 : i32 to vector<512x128xi32>
        %broadcast_in_dim3A_98 = vector.broadcast %jit3A_96 : i32 to vector<512x128xi32>
        %select_n3A_99 = arith.select %and3A, %broadcast_in_dim3A_97, %broadcast_in_dim3A_98 : vector<512x128xi1>, vector<512x128xi32>
        %reduce_sum3A_100 = arith.constant dense<0> : vector<512xi32>
        %reduce_sum3A_101 = vector.multi_reduction <add>, %select_n3A_99, %reduce_sum3A_100 [1] : vector<512x128xi32> to vector<512xi32>
        %broadcast_in_dim3A_102 = vector.shape_cast %reduce_sum3A_101 : vector<512xi32> to vector<512x1xi32>
        %slice3A_103 = vector.extract_strided_slice %get3A_58 {offsets = [0, 0], sizes = [512, 1], strides = [1, 1]} : vector<512x128xf32> to vector<512x1xf32>
        %slice3A_104 = vector.extract_strided_slice %get3A_58 {offsets = [0, 0], sizes = [512, 127], strides = [1, 1]} : vector<512x128xf32> to vector<512x127xf32>
        %concatenate3A = tpu.concatenate %slice3A_103, %slice3A_104 in 1 : vector<512x1xf32>, vector<512x127xf32> -> vector<512x128xf32>
        %slice3A_105 = vector.extract_strided_slice %get3A_75 {offsets = [0, 0], sizes = [512, 1], strides = [1, 1]} : vector<512x128xi32> to vector<512x1xi32>
        %slice3A_106 = vector.extract_strided_slice %get3A_75 {offsets = [0, 0], sizes = [512, 127], strides = [1, 1]} : vector<512x128xi32> to vector<512x127xi32>
        %concatenate3A_107 = tpu.concatenate %slice3A_105, %slice3A_106 in 1 : vector<512x1xi32>, vector<512x127xi32> -> vector<512x128xi32>
        %lt3A_108 = vector.broadcast %broadcast_in_dim3A_102 : vector<512x1xi32> to vector<512x128xi32>
        %lt3A_109 = arith.cmpi slt, %iota3A, %lt3A_108 : vector<512x128xi32>
        %eq3A_110 = vector.broadcast %broadcast_in_dim3A_102 : vector<512x1xi32> to vector<512x128xi32>
        %eq3A_111 = arith.cmpi eq, %iota3A, %eq3A_110 : vector<512x128xi32>
        %broadcast_in_dim3A_112 = vector.shape_cast %broadcast_in_dim3A_55 : vector<512x1xf32> to vector<512x1xf32>
        %broadcast_in_dim3A_113 = vector.broadcast %broadcast_in_dim3A_112 : vector<512x1xf32> to vector<512x128xf32>
        %select_n3A_114 = arith.select %eq3A_111, %broadcast_in_dim3A_113, %concatenate3A : vector<512x128xi1>, vector<512x128xf32>
        %select_n3A_115 = arith.select %lt3A_109, %get3A_58, %select_n3A_114 : vector<512x128xi1>, vector<512x128xf32>
        %lt3A_116 = vector.broadcast %broadcast_in_dim3A_102 : vector<512x1xi32> to vector<512x128xi32>
        %lt3A_117 = arith.cmpi slt, %iota3A, %lt3A_116 : vector<512x128xi32>
        %eq3A_118 = vector.broadcast %broadcast_in_dim3A_102 : vector<512x1xi32> to vector<512x128xi32>
        %eq3A_119 = arith.cmpi eq, %iota3A, %eq3A_118 : vector<512x128xi32>
        %broadcast_in_dim3A_120 = vector.shape_cast %broadcast_in_dim3A_82 : vector<512x1xi32> to vector<512x1xi32>
        %broadcast_in_dim3A_121 = vector.broadcast %broadcast_in_dim3A_120 : vector<512x1xi32> to vector<512x128xi32>
        %select_n3A_122 = arith.select %eq3A_119, %broadcast_in_dim3A_121, %concatenate3A_107 : vector<512x128xi1>, vector<512x128xi32>
        %select_n3A_123 = arith.select %lt3A_117, %get3A_75, %select_n3A_122 : vector<512x128xi1>, vector<512x128xi32>
        %lt3A_124 = arith.constant 11 : i32
        %lt3A_125 = vector.broadcast %lt3A_124 : i32 to vector<512x128xi32>
        %lt3A_126 = arith.cmpi slt, %iota3A, %lt3A_125 : vector<512x128xi32>
        %jit3A_127 = arith.constant 0xFF800000 : f32
        %broadcast_in_dim3A_128 = vector.broadcast %jit3A_127 : f32 to vector<512x128xf32>
        %select_n3A_129 = arith.select %lt3A_126, %select_n3A_115, %broadcast_in_dim3A_128 : vector<512x128xi1>, vector<512x128xf32>
        %swap3A_130 = arith.constant 0 : index
        %swap3A_131 = arith.constant 0 : index
        %swap3A_132 = vector.load %arg12[%swap3A_130, %swap3A_131] : memref<512x128xf32, #tpu.memory_space<vmem>>, vector<512x128xf32>
        tpu.vector_store %arg12[%swap3A_130, %swap3A_131], %select_n3A_129 {strides = array<i32>} : memref<512x128xf32, #tpu.memory_space<vmem>>, vector<512x128xf32>,
        %swap3A_133 = arith.constant 0 : index
        %swap3A_134 = arith.constant 0 : index
        %swap3A_135 = vector.load %arg13[%swap3A_133, %swap3A_134] : memref<512x128xi32, #tpu.memory_space<vmem>>, vector<512x128xi32>
        tpu.vector_store %arg13[%swap3A_133, %swap3A_134], %select_n3A_123 {strides = array<i32>} : memref<512x128xi32, #tpu.memory_space<vmem>>, vector<512x128xi32>,
      } else {
      }
      scf.yield %reduce_or3A_69 : i1
    }
    %eq3A_44 = arith.constant 48 : i32
    %eq3A_45 = arith.cmpi eq, %arg0, %eq3A_44 : i32
    %convert_element_type3A_46 = arith.extui %eq3A_45 : i1 to i32
    %cond3A_47 = arith.constant 0 : i32
    %cond3A_48 = arith.cmpi ne, %convert_element_type3A_46, %cond3A_47 : i32
    scf.if %cond3A_48 {
      %get3A_49 = arith.constant 0 : index
      %get3A_50 = arith.constant 0 : index
      %get3A_51 = vector.load %arg12[%get3A_49, %get3A_50] : memref<512x128xf32, #tpu.memory_space<vmem>>, vector<512x128xf32>
      %get3A_52 = arith.constant 0 : index
      %get3A_53 = arith.constant 0 : index
      %get3A_54 = vector.load %arg13[%get3A_52, %get3A_53] : memref<512x128xi32, #tpu.memory_space<vmem>>, vector<512x128xi32>
      %slice3A = vector.extract_strided_slice %get3A_51 {offsets = [0, 0], sizes = [512, 1], strides = [1, 1]} : vector<512x128xf32> to vector<512x1xf32>
      %sub3A_55 = vector.broadcast %slice3A : vector<512x1xf32> to vector<512x128xf32>
      %sub3A_56 = arith.subf %get3A_51, %sub3A_55 : vector<512x128xf32>
      %exp3A_57 = math.exp %sub3A_56 : vector<512x128xf32>
      %lt3A_58 = arith.constant 11 : i32
      %lt3A_59 = vector.broadcast %lt3A_58 : i32 to vector<512x128xi32>
      %lt3A_60 = arith.cmpi slt, %iota3A, %lt3A_59 : vector<512x128xi32>
      %jit3A_61 = arith.constant 0.000000e+00 : f32
      %broadcast_in_dim3A_62 = vector.broadcast %jit3A_61 : f32 to vector<512x128xf32>
      %select_n3A_63 = arith.select %lt3A_60, %exp3A_57, %broadcast_in_dim3A_62 : vector<512x128xi1>, vector<512x128xf32>
      %reduce_sum3A_64 = arith.constant dense<0.000000e+00> : vector<512xf32>
      %reduce_sum3A_65 = vector.multi_reduction <add>, %select_n3A_63, %reduce_sum3A_64 [1] : vector<512x128xf32> to vector<512xf32>
      %broadcast_in_dim3A_66 = vector.shape_cast %reduce_sum3A_65 : vector<512xf32> to vector<512x1xf32>
      %div3A_67 = vector.broadcast %broadcast_in_dim3A_66 : vector<512x1xf32> to vector<512x128xf32>
      %div3A_68 = arith.divf %select_n3A_63, %div3A_67 : vector<512x128xf32>
      %iota3A_69 = tpu.iota {dimensions = array<i32: 0>} : vector<512x128xi32>
      %slice3A_70 = vector.extract_strided_slice %div3A_68 {offsets = [0, 0], sizes = [512, 16], strides = [1, 1]} : vector<512x128xf32> to vector<512x16xf32>
      %swap3A_71 = arith.constant 0 : index
      %swap3A_72 = arith.constant 0 : index
      %swap3A_73 = vector.load %arg8[%swap3A_71, %swap3A_72] : memref<512x16xf32, #tpu.memory_space<vmem>>, vector<512x16xf32>
      tpu.vector_store %arg8[%swap3A_71, %swap3A_72], %slice3A_70 {strides = array<i32>} : memref<512x16xf32, #tpu.memory_space<vmem>>, vector<512x16xf32>,
      %mul3A_74 = arith.constant 100000 : i32
      %mul3A_75 = vector.broadcast %mul3A_74 : i32 to vector<512x128xi32>
      %mul3A_76 = arith.muli %iota3A_69, %mul3A_75 : vector<512x128xi32>
      %add3A_77 = arith.addi %mul3A_76, %get3A_54 : vector<512x128xi32>
      %slice3A_78 = vector.extract_strided_slice %add3A_77 {offsets = [0, 0], sizes = [512, 16], strides = [1, 1]} : vector<512x128xi32> to vector<512x16xi32>
      %swap3A_79 = arith.constant 0 : index
      %swap3A_80 = arith.constant 0 : index
      %swap3A_81 = vector.load %arg9[%swap3A_79, %swap3A_80] : memref<512x16xi32, #tpu.memory_space<vmem>>, vector<512x16xi32>
      tpu.vector_store %arg9[%swap3A_79, %swap3A_80], %slice3A_78 {strides = array<i32>} : memref<512x16xi32, #tpu.memory_space<vmem>>, vector<512x16xi32>,
      %slice3A_82 = vector.extract_strided_slice %get3A_54 {offsets = [0, 0], sizes = [512, 16], strides = [1, 1]} : vector<512x128xi32> to vector<512x16xi32>
      %swap3A_83 = arith.constant 0 : index
      %swap3A_84 = arith.constant 0 : index
      %swap3A_85 = vector.load %arg10[%swap3A_83, %swap3A_84] : memref<512x16xi32, #tpu.memory_space<vmem>>, vector<512x16xi32>
      tpu.vector_store %arg10[%swap3A_83, %swap3A_84], %slice3A_82 {strides = array<i32>} : memref<512x16xi32, #tpu.memory_space<vmem>>, vector<512x16xi32>,
    } else {
    }
    return
  }
  func.func @transform_0(%arg0: i32) -> (i32, i32, i32, i32) {
    %c0_i32 = arith.constant 0 : i32
    %c0_i32_0 = arith.constant 0 : i32
    %c0_i32_1 = arith.constant 0 : i32
    %c0_i32_2 = arith.constant 0 : i32
    %c0_i32_3 = arith.constant 0 : i32
    return %c0_i32, %c0_i32_0, %c0_i32_1, %c0_i32_2 : i32, i32, i32, i32
  }
  func.func @transform_1(%arg0: i32) -> (i32, i32) {
    %c0_i32 = arith.constant 0 : i32
    %c0_i32_0 = arith.constant 0 : i32
    %c0_i32_1 = arith.constant 0 : i32
    return %c0_i32, %c0_i32_0 : i32, i32
  }
  func.func @transform_2(%arg0: i32) -> (i32, i32) {
    %c0_i32 = arith.constant 0 : i32
    %c0_i32_0 = arith.constant 0 : i32
    %c0_i32_1 = arith.constant 0 : i32
    return %c0_i32, %c0_i32_0 : i32, i32
  }
  func.func @transform_3(%arg0: i32) -> (i32, i32) {
    %c0_i32 = arith.constant 0 : i32
    %c0_i32_0 = arith.constant 0 : i32
    %c0_i32_1 = arith.constant 0 : i32
    return %c0_i32, %c0_i32_0 : i32, i32
  }
  func.func @transform_4(%arg0: i32) -> (i32, i32) {
    %c0_i32 = arith.constant 0 : i32
    %c0_i32_0 = arith.constant 0 : i32
    return %arg0, %c0_i32 : i32, i32
  }
  func.func @transform_5(%arg0: i32) -> (i32, i32) {
    %c0_i32 = arith.constant 0 : i32
    %c0_i32_0 = arith.constant 0 : i32
    return %arg0, %c0_i32 : i32, i32
  }
  func.func @transform_6(%arg0: i32) -> (i32, i32) {
    %c0_i32 = arith.constant 0 : i32
    %c0_i32_0 = arith.constant 0 : i32
    return %arg0, %c0_i32 : i32, i32
  }
  func.func @transform_7(%arg0: i32) -> (i32, i32) {
    %c0_i32 = arith.constant 0 : i32
    %c0_i32_0 = arith.constant 0 : i32
    %c0_i32_1 = arith.constant 0 : i32
    return %c0_i32, %c0_i32_0 : i32, i32
  }
  func.func @transform_8(%arg0: i32) -> (i32, i32) {
    %c0_i32 = arith.constant 0 : i32
    %c0_i32_0 = arith.constant 0 : i32
    %c0_i32_1 = arith.constant 0 : i32
    return %c0_i32, %c0_i32_0 : i32, i32
  }
  func.func @transform_9(%arg0: i32) -> (i32, i32) {
    %c0_i32 = arith.constant 0 : i32
    %c0_i32_0 = arith.constant 0 : i32
    %c0_i32_1 = arith.constant 0 : i32
    return %c0_i32, %c0_i32_0 : i32, i32
  }
}

module attributes {stable_mosaic.version = 14 : i64} {
  func.func @_fin_body(%arg0: i32, %arg1: memref<512x1408xf32, #tpu.memory_space<vmem>>, %arg2: memref<512x16xf32, #tpu.memory_space<vmem>>, %arg3: memref<128x8xf32, #tpu.memory_space<vmem>>, %arg4: memref<512x128xf32, #tpu.memory_space<vmem>>, %arg5: memref<512x8xf32, #tpu.memory_space<vmem>>) attributes {dimension_semantics = [#tpu.dimension_semantics<arbitrary>], iteration_bounds = array<i64: 1>, scalar_prefetch = 0 : i64, scratch_operands = 0 : i64, tpu.core_type = #tpu.core_type<tc>, window_params = [{pipeline_mode = #tpu.pipeline_mode<synchronous>, transform_indices = @transform_0, window_bounds = array<i64: 512, 1408>}, {pipeline_mode = #tpu.pipeline_mode<synchronous>, transform_indices = @transform_1, window_bounds = array<i64: 512, 16>}, {pipeline_mode = #tpu.pipeline_mode<synchronous>, transform_indices = @transform_2, window_bounds = array<i64: 128, 8>}, {pipeline_mode = #tpu.pipeline_mode<synchronous>, transform_indices = @transform_3, window_bounds = array<i64: 512, 128>}, {pipeline_mode = #tpu.pipeline_mode<synchronous>, transform_indices = @transform_4, window_bounds = array<i64: 512, 8>}]} {
    %get3A = arith.constant 0 : index
    %get3A_0 = arith.constant 0 : index
    %get3A_1 = vector.load %arg2[%get3A, %get3A_0] : memref<512x16xf32, #tpu.memory_space<vmem>>, vector<512x16xf32>
    %broadcast_in_dim3A = arith.constant 0.000000e+00 : f32
    %broadcast_in_dim3A_2 = vector.broadcast %broadcast_in_dim3A : f32 to vector<512x128xf32>
    %broadcast_in_dim3A_3 = arith.constant 0.000000e+00 : f32
    %broadcast_in_dim3A_4 = vector.broadcast %broadcast_in_dim3A_3 : f32 to vector<512x8xf32>
    %get3A_5 = arith.constant 0 : index
    %get3A_6 = arith.constant 0 : index
    %get3A_7 = vector.load %arg1[%get3A_5, %get3A_6] : memref<512x1408xf32, #tpu.memory_space<vmem>>, vector<512x128xf32>
    %slice3A = vector.extract_strided_slice %get3A_1 {offsets = [0, 0], sizes = [512, 1], strides = [1, 1]} : vector<512x16xf32> to vector<512x1xf32>
    %mul3A = vector.broadcast %slice3A : vector<512x1xf32> to vector<512x128xf32>
    %mul3A_8 = arith.mulf %mul3A, %get3A_7 : vector<512x128xf32>
    %add3A = arith.addf %broadcast_in_dim3A_2, %mul3A_8 : vector<512x128xf32>
    %get3A_9 = arith.constant 0 : index
    %get3A_10 = arith.constant 0 : index
    %get3A_11 = vector.load %arg3[%get3A_9, %get3A_10] : memref<128x8xf32, #tpu.memory_space<vmem>>, vector<128x8xf32>
    %dot_general3A = arith.constant dense<0.000000e+00> : vector<512x8xf32>
    %dot_general3A_12 = tpu.matmul %get3A_7, %get3A_11, %dot_general3A {dimension_numbers = #tpu.dot_dimension_numbers<[1], [0], [0], [1], [0, 0, 1, 1], [], []>, transpose_lhs_hint = false} : vector<512x128xf32>, vector<128x8xf32>, vector<512x8xf32> -> vector<512x8xf32>
    %reduce_max3A = arith.constant dense<0xFF800000> : vector<512xf32>
    %reduce_max3A_13 = vector.multi_reduction <maximumf>, %dot_general3A_12, %reduce_max3A [1] : vector<512x8xf32> to vector<512xf32>
    %max3A = arith.constant 0xFF800000 : f32
    %max3A_14 = vector.broadcast %max3A : f32 to vector<512xf32>
    %max3A_15 = arith.maximumf %max3A_14, %reduce_max3A_13 : vector<512xf32>
    %broadcast_in_dim3A_16 = vector.shape_cast %max3A_15 : vector<512xf32> to vector<512x1xf32>
    %sub3A = vector.broadcast %broadcast_in_dim3A_16 : vector<512x1xf32> to vector<512x8xf32>
    %sub3A_17 = arith.subf %dot_general3A_12, %sub3A : vector<512x8xf32>
    %exp3A = math.exp %sub3A_17 : vector<512x8xf32>
    %reduce_sum3A = arith.constant dense<0.000000e+00> : vector<512xf32>
    %reduce_sum3A_18 = vector.multi_reduction <add>, %exp3A, %reduce_sum3A [1] : vector<512x8xf32> to vector<512xf32>
    %broadcast_in_dim3A_19 = vector.shape_cast %reduce_sum3A_18 : vector<512xf32> to vector<512x1xf32>
    %div3A = vector.broadcast %broadcast_in_dim3A_19 : vector<512x1xf32> to vector<512x8xf32>
    %div3A_20 = arith.divf %exp3A, %div3A : vector<512x8xf32>
    %mul3A_21 = vector.broadcast %slice3A : vector<512x1xf32> to vector<512x8xf32>
    %mul3A_22 = arith.mulf %mul3A_21, %div3A_20 : vector<512x8xf32>
    %add3A_23 = arith.addf %broadcast_in_dim3A_4, %mul3A_22 : vector<512x8xf32>
    %get3A_24 = arith.constant 0 : index
    %get3A_25 = arith.constant 128 : index
    %get3A_26 = vector.load %arg1[%get3A_24, %get3A_25] : memref<512x1408xf32, #tpu.memory_space<vmem>>, vector<512x128xf32>
    %slice3A_27 = vector.extract_strided_slice %get3A_1 {offsets = [0, 1], sizes = [512, 1], strides = [1, 1]} : vector<512x16xf32> to vector<512x1xf32>
    %mul3A_28 = vector.broadcast %slice3A_27 : vector<512x1xf32> to vector<512x128xf32>
    %mul3A_29 = arith.mulf %mul3A_28, %get3A_26 : vector<512x128xf32>
    %add3A_30 = arith.addf %add3A, %mul3A_29 : vector<512x128xf32>
    %get3A_31 = arith.constant 0 : index
    %get3A_32 = arith.constant 0 : index
    %get3A_33 = vector.load %arg3[%get3A_31, %get3A_32] : memref<128x8xf32, #tpu.memory_space<vmem>>, vector<128x8xf32>
    %dot_general3A_34 = arith.constant dense<0.000000e+00> : vector<512x8xf32>
    %dot_general3A_35 = tpu.matmul %get3A_26, %get3A_33, %dot_general3A_34 {dimension_numbers = #tpu.dot_dimension_numbers<[1], [0], [0], [1], [0, 0, 1, 1], [], []>, transpose_lhs_hint = false} : vector<512x128xf32>, vector<128x8xf32>, vector<512x8xf32> -> vector<512x8xf32>
    %reduce_max3A_36 = arith.constant dense<0xFF800000> : vector<512xf32>
    %reduce_max3A_37 = vector.multi_reduction <maximumf>, %dot_general3A_35, %reduce_max3A_36 [1] : vector<512x8xf32> to vector<512xf32>
    %max3A_38 = arith.constant 0xFF800000 : f32
    %max3A_39 = vector.broadcast %max3A_38 : f32 to vector<512xf32>
    %max3A_40 = arith.maximumf %max3A_39, %reduce_max3A_37 : vector<512xf32>
    %broadcast_in_dim3A_41 = vector.shape_cast %max3A_40 : vector<512xf32> to vector<512x1xf32>
    %sub3A_42 = vector.broadcast %broadcast_in_dim3A_41 : vector<512x1xf32> to vector<512x8xf32>
    %sub3A_43 = arith.subf %dot_general3A_35, %sub3A_42 : vector<512x8xf32>
    %exp3A_44 = math.exp %sub3A_43 : vector<512x8xf32>
    %reduce_sum3A_45 = arith.constant dense<0.000000e+00> : vector<512xf32>
    %reduce_sum3A_46 = vector.multi_reduction <add>, %exp3A_44, %reduce_sum3A_45 [1] : vector<512x8xf32> to vector<512xf32>
    %broadcast_in_dim3A_47 = vector.shape_cast %reduce_sum3A_46 : vector<512xf32> to vector<512x1xf32>
    %div3A_48 = vector.broadcast %broadcast_in_dim3A_47 : vector<512x1xf32> to vector<512x8xf32>
    %div3A_49 = arith.divf %exp3A_44, %div3A_48 : vector<512x8xf32>
    %mul3A_50 = vector.broadcast %slice3A_27 : vector<512x1xf32> to vector<512x8xf32>
    %mul3A_51 = arith.mulf %mul3A_50, %div3A_49 : vector<512x8xf32>
    %add3A_52 = arith.addf %add3A_23, %mul3A_51 : vector<512x8xf32>
    %get3A_53 = arith.constant 0 : index
    %get3A_54 = arith.constant 256 : index
    %get3A_55 = vector.load %arg1[%get3A_53, %get3A_54] : memref<512x1408xf32, #tpu.memory_space<vmem>>, vector<512x128xf32>
    %slice3A_56 = vector.extract_strided_slice %get3A_1 {offsets = [0, 2], sizes = [512, 1], strides = [1, 1]} : vector<512x16xf32> to vector<512x1xf32>
    %mul3A_57 = vector.broadcast %slice3A_56 : vector<512x1xf32> to vector<512x128xf32>
    %mul3A_58 = arith.mulf %mul3A_57, %get3A_55 : vector<512x128xf32>
    %add3A_59 = arith.addf %add3A_30, %mul3A_58 : vector<512x128xf32>
    %get3A_60 = arith.constant 0 : index
    %get3A_61 = arith.constant 0 : index
    %get3A_62 = vector.load %arg3[%get3A_60, %get3A_61] : memref<128x8xf32, #tpu.memory_space<vmem>>, vector<128x8xf32>
    %dot_general3A_63 = arith.constant dense<0.000000e+00> : vector<512x8xf32>
    %dot_general3A_64 = tpu.matmul %get3A_55, %get3A_62, %dot_general3A_63 {dimension_numbers = #tpu.dot_dimension_numbers<[1], [0], [0], [1], [0, 0, 1, 1], [], []>, transpose_lhs_hint = false} : vector<512x128xf32>, vector<128x8xf32>, vector<512x8xf32> -> vector<512x8xf32>
    %reduce_max3A_65 = arith.constant dense<0xFF800000> : vector<512xf32>
    %reduce_max3A_66 = vector.multi_reduction <maximumf>, %dot_general3A_64, %reduce_max3A_65 [1] : vector<512x8xf32> to vector<512xf32>
    %max3A_67 = arith.constant 0xFF800000 : f32
    %max3A_68 = vector.broadcast %max3A_67 : f32 to vector<512xf32>
    %max3A_69 = arith.maximumf %max3A_68, %reduce_max3A_66 : vector<512xf32>
    %broadcast_in_dim3A_70 = vector.shape_cast %max3A_69 : vector<512xf32> to vector<512x1xf32>
    %sub3A_71 = vector.broadcast %broadcast_in_dim3A_70 : vector<512x1xf32> to vector<512x8xf32>
    %sub3A_72 = arith.subf %dot_general3A_64, %sub3A_71 : vector<512x8xf32>
    %exp3A_73 = math.exp %sub3A_72 : vector<512x8xf32>
    %reduce_sum3A_74 = arith.constant dense<0.000000e+00> : vector<512xf32>
    %reduce_sum3A_75 = vector.multi_reduction <add>, %exp3A_73, %reduce_sum3A_74 [1] : vector<512x8xf32> to vector<512xf32>
    %broadcast_in_dim3A_76 = vector.shape_cast %reduce_sum3A_75 : vector<512xf32> to vector<512x1xf32>
    %div3A_77 = vector.broadcast %broadcast_in_dim3A_76 : vector<512x1xf32> to vector<512x8xf32>
    %div3A_78 = arith.divf %exp3A_73, %div3A_77 : vector<512x8xf32>
    %mul3A_79 = vector.broadcast %slice3A_56 : vector<512x1xf32> to vector<512x8xf32>
    %mul3A_80 = arith.mulf %mul3A_79, %div3A_78 : vector<512x8xf32>
    %add3A_81 = arith.addf %add3A_52, %mul3A_80 : vector<512x8xf32>
    %get3A_82 = arith.constant 0 : index
    %get3A_83 = arith.constant 384 : index
    %get3A_84 = vector.load %arg1[%get3A_82, %get3A_83] : memref<512x1408xf32, #tpu.memory_space<vmem>>, vector<512x128xf32>
    %slice3A_85 = vector.extract_strided_slice %get3A_1 {offsets = [0, 3], sizes = [512, 1], strides = [1, 1]} : vector<512x16xf32> to vector<512x1xf32>
    %mul3A_86 = vector.broadcast %slice3A_85 : vector<512x1xf32> to vector<512x128xf32>
    %mul3A_87 = arith.mulf %mul3A_86, %get3A_84 : vector<512x128xf32>
    %add3A_88 = arith.addf %add3A_59, %mul3A_87 : vector<512x128xf32>
    %get3A_89 = arith.constant 0 : index
    %get3A_90 = arith.constant 0 : index
    %get3A_91 = vector.load %arg3[%get3A_89, %get3A_90] : memref<128x8xf32, #tpu.memory_space<vmem>>, vector<128x8xf32>
    %dot_general3A_92 = arith.constant dense<0.000000e+00> : vector<512x8xf32>
    %dot_general3A_93 = tpu.matmul %get3A_84, %get3A_91, %dot_general3A_92 {dimension_numbers = #tpu.dot_dimension_numbers<[1], [0], [0], [1], [0, 0, 1, 1], [], []>, transpose_lhs_hint = false} : vector<512x128xf32>, vector<128x8xf32>, vector<512x8xf32> -> vector<512x8xf32>
    %reduce_max3A_94 = arith.constant dense<0xFF800000> : vector<512xf32>
    %reduce_max3A_95 = vector.multi_reduction <maximumf>, %dot_general3A_93, %reduce_max3A_94 [1] : vector<512x8xf32> to vector<512xf32>
    %max3A_96 = arith.constant 0xFF800000 : f32
    %max3A_97 = vector.broadcast %max3A_96 : f32 to vector<512xf32>
    %max3A_98 = arith.maximumf %max3A_97, %reduce_max3A_95 : vector<512xf32>
    %broadcast_in_dim3A_99 = vector.shape_cast %max3A_98 : vector<512xf32> to vector<512x1xf32>
    %sub3A_100 = vector.broadcast %broadcast_in_dim3A_99 : vector<512x1xf32> to vector<512x8xf32>
    %sub3A_101 = arith.subf %dot_general3A_93, %sub3A_100 : vector<512x8xf32>
    %exp3A_102 = math.exp %sub3A_101 : vector<512x8xf32>
    %reduce_sum3A_103 = arith.constant dense<0.000000e+00> : vector<512xf32>
    %reduce_sum3A_104 = vector.multi_reduction <add>, %exp3A_102, %reduce_sum3A_103 [1] : vector<512x8xf32> to vector<512xf32>
    %broadcast_in_dim3A_105 = vector.shape_cast %reduce_sum3A_104 : vector<512xf32> to vector<512x1xf32>
    %div3A_106 = vector.broadcast %broadcast_in_dim3A_105 : vector<512x1xf32> to vector<512x8xf32>
    %div3A_107 = arith.divf %exp3A_102, %div3A_106 : vector<512x8xf32>
    %mul3A_108 = vector.broadcast %slice3A_85 : vector<512x1xf32> to vector<512x8xf32>
    %mul3A_109 = arith.mulf %mul3A_108, %div3A_107 : vector<512x8xf32>
    %add3A_110 = arith.addf %add3A_81, %mul3A_109 : vector<512x8xf32>
    %get3A_111 = arith.constant 0 : index
    %get3A_112 = arith.constant 512 : index
    %get3A_113 = vector.load %arg1[%get3A_111, %get3A_112] : memref<512x1408xf32, #tpu.memory_space<vmem>>, vector<512x128xf32>
    %slice3A_114 = vector.extract_strided_slice %get3A_1 {offsets = [0, 4], sizes = [512, 1], strides = [1, 1]} : vector<512x16xf32> to vector<512x1xf32>
    %mul3A_115 = vector.broadcast %slice3A_114 : vector<512x1xf32> to vector<512x128xf32>
    %mul3A_116 = arith.mulf %mul3A_115, %get3A_113 : vector<512x128xf32>
    %add3A_117 = arith.addf %add3A_88, %mul3A_116 : vector<512x128xf32>
    %get3A_118 = arith.constant 0 : index
    %get3A_119 = arith.constant 0 : index
    %get3A_120 = vector.load %arg3[%get3A_118, %get3A_119] : memref<128x8xf32, #tpu.memory_space<vmem>>, vector<128x8xf32>
    %dot_general3A_121 = arith.constant dense<0.000000e+00> : vector<512x8xf32>
    %dot_general3A_122 = tpu.matmul %get3A_113, %get3A_120, %dot_general3A_121 {dimension_numbers = #tpu.dot_dimension_numbers<[1], [0], [0], [1], [0, 0, 1, 1], [], []>, transpose_lhs_hint = false} : vector<512x128xf32>, vector<128x8xf32>, vector<512x8xf32> -> vector<512x8xf32>
    %reduce_max3A_123 = arith.constant dense<0xFF800000> : vector<512xf32>
    %reduce_max3A_124 = vector.multi_reduction <maximumf>, %dot_general3A_122, %reduce_max3A_123 [1] : vector<512x8xf32> to vector<512xf32>
    %max3A_125 = arith.constant 0xFF800000 : f32
    %max3A_126 = vector.broadcast %max3A_125 : f32 to vector<512xf32>
    %max3A_127 = arith.maximumf %max3A_126, %reduce_max3A_124 : vector<512xf32>
    %broadcast_in_dim3A_128 = vector.shape_cast %max3A_127 : vector<512xf32> to vector<512x1xf32>
    %sub3A_129 = vector.broadcast %broadcast_in_dim3A_128 : vector<512x1xf32> to vector<512x8xf32>
    %sub3A_130 = arith.subf %dot_general3A_122, %sub3A_129 : vector<512x8xf32>
    %exp3A_131 = math.exp %sub3A_130 : vector<512x8xf32>
    %reduce_sum3A_132 = arith.constant dense<0.000000e+00> : vector<512xf32>
    %reduce_sum3A_133 = vector.multi_reduction <add>, %exp3A_131, %reduce_sum3A_132 [1] : vector<512x8xf32> to vector<512xf32>
    %broadcast_in_dim3A_134 = vector.shape_cast %reduce_sum3A_133 : vector<512xf32> to vector<512x1xf32>
    %div3A_135 = vector.broadcast %broadcast_in_dim3A_134 : vector<512x1xf32> to vector<512x8xf32>
    %div3A_136 = arith.divf %exp3A_131, %div3A_135 : vector<512x8xf32>
    %mul3A_137 = vector.broadcast %slice3A_114 : vector<512x1xf32> to vector<512x8xf32>
    %mul3A_138 = arith.mulf %mul3A_137, %div3A_136 : vector<512x8xf32>
    %add3A_139 = arith.addf %add3A_110, %mul3A_138 : vector<512x8xf32>
    %get3A_140 = arith.constant 0 : index
    %get3A_141 = arith.constant 640 : index
    %get3A_142 = vector.load %arg1[%get3A_140, %get3A_141] : memref<512x1408xf32, #tpu.memory_space<vmem>>, vector<512x128xf32>
    %slice3A_143 = vector.extract_strided_slice %get3A_1 {offsets = [0, 5], sizes = [512, 1], strides = [1, 1]} : vector<512x16xf32> to vector<512x1xf32>
    %mul3A_144 = vector.broadcast %slice3A_143 : vector<512x1xf32> to vector<512x128xf32>
    %mul3A_145 = arith.mulf %mul3A_144, %get3A_142 : vector<512x128xf32>
    %add3A_146 = arith.addf %add3A_117, %mul3A_145 : vector<512x128xf32>
    %get3A_147 = arith.constant 0 : index
    %get3A_148 = arith.constant 0 : index
    %get3A_149 = vector.load %arg3[%get3A_147, %get3A_148] : memref<128x8xf32, #tpu.memory_space<vmem>>, vector<128x8xf32>
    %dot_general3A_150 = arith.constant dense<0.000000e+00> : vector<512x8xf32>
    %dot_general3A_151 = tpu.matmul %get3A_142, %get3A_149, %dot_general3A_150 {dimension_numbers = #tpu.dot_dimension_numbers<[1], [0], [0], [1], [0, 0, 1, 1], [], []>, transpose_lhs_hint = false} : vector<512x128xf32>, vector<128x8xf32>, vector<512x8xf32> -> vector<512x8xf32>
    %reduce_max3A_152 = arith.constant dense<0xFF800000> : vector<512xf32>
    %reduce_max3A_153 = vector.multi_reduction <maximumf>, %dot_general3A_151, %reduce_max3A_152 [1] : vector<512x8xf32> to vector<512xf32>
    %max3A_154 = arith.constant 0xFF800000 : f32
    %max3A_155 = vector.broadcast %max3A_154 : f32 to vector<512xf32>
    %max3A_156 = arith.maximumf %max3A_155, %reduce_max3A_153 : vector<512xf32>
    %broadcast_in_dim3A_157 = vector.shape_cast %max3A_156 : vector<512xf32> to vector<512x1xf32>
    %sub3A_158 = vector.broadcast %broadcast_in_dim3A_157 : vector<512x1xf32> to vector<512x8xf32>
    %sub3A_159 = arith.subf %dot_general3A_151, %sub3A_158 : vector<512x8xf32>
    %exp3A_160 = math.exp %sub3A_159 : vector<512x8xf32>
    %reduce_sum3A_161 = arith.constant dense<0.000000e+00> : vector<512xf32>
    %reduce_sum3A_162 = vector.multi_reduction <add>, %exp3A_160, %reduce_sum3A_161 [1] : vector<512x8xf32> to vector<512xf32>
    %broadcast_in_dim3A_163 = vector.shape_cast %reduce_sum3A_162 : vector<512xf32> to vector<512x1xf32>
    %div3A_164 = vector.broadcast %broadcast_in_dim3A_163 : vector<512x1xf32> to vector<512x8xf32>
    %div3A_165 = arith.divf %exp3A_160, %div3A_164 : vector<512x8xf32>
    %mul3A_166 = vector.broadcast %slice3A_143 : vector<512x1xf32> to vector<512x8xf32>
    %mul3A_167 = arith.mulf %mul3A_166, %div3A_165 : vector<512x8xf32>
    %add3A_168 = arith.addf %add3A_139, %mul3A_167 : vector<512x8xf32>
    %get3A_169 = arith.constant 0 : index
    %get3A_170 = arith.constant 768 : index
    %get3A_171 = vector.load %arg1[%get3A_169, %get3A_170] : memref<512x1408xf32, #tpu.memory_space<vmem>>, vector<512x128xf32>
    %slice3A_172 = vector.extract_strided_slice %get3A_1 {offsets = [0, 6], sizes = [512, 1], strides = [1, 1]} : vector<512x16xf32> to vector<512x1xf32>
    %mul3A_173 = vector.broadcast %slice3A_172 : vector<512x1xf32> to vector<512x128xf32>
    %mul3A_174 = arith.mulf %mul3A_173, %get3A_171 : vector<512x128xf32>
    %add3A_175 = arith.addf %add3A_146, %mul3A_174 : vector<512x128xf32>
    %get3A_176 = arith.constant 0 : index
    %get3A_177 = arith.constant 0 : index
    %get3A_178 = vector.load %arg3[%get3A_176, %get3A_177] : memref<128x8xf32, #tpu.memory_space<vmem>>, vector<128x8xf32>
    %dot_general3A_179 = arith.constant dense<0.000000e+00> : vector<512x8xf32>
    %dot_general3A_180 = tpu.matmul %get3A_171, %get3A_178, %dot_general3A_179 {dimension_numbers = #tpu.dot_dimension_numbers<[1], [0], [0], [1], [0, 0, 1, 1], [], []>, transpose_lhs_hint = false} : vector<512x128xf32>, vector<128x8xf32>, vector<512x8xf32> -> vector<512x8xf32>
    %reduce_max3A_181 = arith.constant dense<0xFF800000> : vector<512xf32>
    %reduce_max3A_182 = vector.multi_reduction <maximumf>, %dot_general3A_180, %reduce_max3A_181 [1] : vector<512x8xf32> to vector<512xf32>
    %max3A_183 = arith.constant 0xFF800000 : f32
    %max3A_184 = vector.broadcast %max3A_183 : f32 to vector<512xf32>
    %max3A_185 = arith.maximumf %max3A_184, %reduce_max3A_182 : vector<512xf32>
    %broadcast_in_dim3A_186 = vector.shape_cast %max3A_185 : vector<512xf32> to vector<512x1xf32>
    %sub3A_187 = vector.broadcast %broadcast_in_dim3A_186 : vector<512x1xf32> to vector<512x8xf32>
    %sub3A_188 = arith.subf %dot_general3A_180, %sub3A_187 : vector<512x8xf32>
    %exp3A_189 = math.exp %sub3A_188 : vector<512x8xf32>
    %reduce_sum3A_190 = arith.constant dense<0.000000e+00> : vector<512xf32>
    %reduce_sum3A_191 = vector.multi_reduction <add>, %exp3A_189, %reduce_sum3A_190 [1] : vector<512x8xf32> to vector<512xf32>
    %broadcast_in_dim3A_192 = vector.shape_cast %reduce_sum3A_191 : vector<512xf32> to vector<512x1xf32>
    %div3A_193 = vector.broadcast %broadcast_in_dim3A_192 : vector<512x1xf32> to vector<512x8xf32>
    %div3A_194 = arith.divf %exp3A_189, %div3A_193 : vector<512x8xf32>
    %mul3A_195 = vector.broadcast %slice3A_172 : vector<512x1xf32> to vector<512x8xf32>
    %mul3A_196 = arith.mulf %mul3A_195, %div3A_194 : vector<512x8xf32>
    %add3A_197 = arith.addf %add3A_168, %mul3A_196 : vector<512x8xf32>
    %get3A_198 = arith.constant 0 : index
    %get3A_199 = arith.constant 896 : index
    %get3A_200 = vector.load %arg1[%get3A_198, %get3A_199] : memref<512x1408xf32, #tpu.memory_space<vmem>>, vector<512x128xf32>
    %slice3A_201 = vector.extract_strided_slice %get3A_1 {offsets = [0, 7], sizes = [512, 1], strides = [1, 1]} : vector<512x16xf32> to vector<512x1xf32>
    %mul3A_202 = vector.broadcast %slice3A_201 : vector<512x1xf32> to vector<512x128xf32>
    %mul3A_203 = arith.mulf %mul3A_202, %get3A_200 : vector<512x128xf32>
    %add3A_204 = arith.addf %add3A_175, %mul3A_203 : vector<512x128xf32>
    %get3A_205 = arith.constant 0 : index
    %get3A_206 = arith.constant 0 : index
    %get3A_207 = vector.load %arg3[%get3A_205, %get3A_206] : memref<128x8xf32, #tpu.memory_space<vmem>>, vector<128x8xf32>
    %dot_general3A_208 = arith.constant dense<0.000000e+00> : vector<512x8xf32>
    %dot_general3A_209 = tpu.matmul %get3A_200, %get3A_207, %dot_general3A_208 {dimension_numbers = #tpu.dot_dimension_numbers<[1], [0], [0], [1], [0, 0, 1, 1], [], []>, transpose_lhs_hint = false} : vector<512x128xf32>, vector<128x8xf32>, vector<512x8xf32> -> vector<512x8xf32>
    %reduce_max3A_210 = arith.constant dense<0xFF800000> : vector<512xf32>
    %reduce_max3A_211 = vector.multi_reduction <maximumf>, %dot_general3A_209, %reduce_max3A_210 [1] : vector<512x8xf32> to vector<512xf32>
    %max3A_212 = arith.constant 0xFF800000 : f32
    %max3A_213 = vector.broadcast %max3A_212 : f32 to vector<512xf32>
    %max3A_214 = arith.maximumf %max3A_213, %reduce_max3A_211 : vector<512xf32>
    %broadcast_in_dim3A_215 = vector.shape_cast %max3A_214 : vector<512xf32> to vector<512x1xf32>
    %sub3A_216 = vector.broadcast %broadcast_in_dim3A_215 : vector<512x1xf32> to vector<512x8xf32>
    %sub3A_217 = arith.subf %dot_general3A_209, %sub3A_216 : vector<512x8xf32>
    %exp3A_218 = math.exp %sub3A_217 : vector<512x8xf32>
    %reduce_sum3A_219 = arith.constant dense<0.000000e+00> : vector<512xf32>
    %reduce_sum3A_220 = vector.multi_reduction <add>, %exp3A_218, %reduce_sum3A_219 [1] : vector<512x8xf32> to vector<512xf32>
    %broadcast_in_dim3A_221 = vector.shape_cast %reduce_sum3A_220 : vector<512xf32> to vector<512x1xf32>
    %div3A_222 = vector.broadcast %broadcast_in_dim3A_221 : vector<512x1xf32> to vector<512x8xf32>
    %div3A_223 = arith.divf %exp3A_218, %div3A_222 : vector<512x8xf32>
    %mul3A_224 = vector.broadcast %slice3A_201 : vector<512x1xf32> to vector<512x8xf32>
    %mul3A_225 = arith.mulf %mul3A_224, %div3A_223 : vector<512x8xf32>
    %add3A_226 = arith.addf %add3A_197, %mul3A_225 : vector<512x8xf32>
    %get3A_227 = arith.constant 0 : index
    %get3A_228 = arith.constant 1024 : index
    %get3A_229 = vector.load %arg1[%get3A_227, %get3A_228] : memref<512x1408xf32, #tpu.memory_space<vmem>>, vector<512x128xf32>
    %slice3A_230 = vector.extract_strided_slice %get3A_1 {offsets = [0, 8], sizes = [512, 1], strides = [1, 1]} : vector<512x16xf32> to vector<512x1xf32>
    %mul3A_231 = vector.broadcast %slice3A_230 : vector<512x1xf32> to vector<512x128xf32>
    %mul3A_232 = arith.mulf %mul3A_231, %get3A_229 : vector<512x128xf32>
    %add3A_233 = arith.addf %add3A_204, %mul3A_232 : vector<512x128xf32>
    %get3A_234 = arith.constant 0 : index
    %get3A_235 = arith.constant 0 : index
    %get3A_236 = vector.load %arg3[%get3A_234, %get3A_235] : memref<128x8xf32, #tpu.memory_space<vmem>>, vector<128x8xf32>
    %dot_general3A_237 = arith.constant dense<0.000000e+00> : vector<512x8xf32>
    %dot_general3A_238 = tpu.matmul %get3A_229, %get3A_236, %dot_general3A_237 {dimension_numbers = #tpu.dot_dimension_numbers<[1], [0], [0], [1], [0, 0, 1, 1], [], []>, transpose_lhs_hint = false} : vector<512x128xf32>, vector<128x8xf32>, vector<512x8xf32> -> vector<512x8xf32>
    %reduce_max3A_239 = arith.constant dense<0xFF800000> : vector<512xf32>
    %reduce_max3A_240 = vector.multi_reduction <maximumf>, %dot_general3A_238, %reduce_max3A_239 [1] : vector<512x8xf32> to vector<512xf32>
    %max3A_241 = arith.constant 0xFF800000 : f32
    %max3A_242 = vector.broadcast %max3A_241 : f32 to vector<512xf32>
    %max3A_243 = arith.maximumf %max3A_242, %reduce_max3A_240 : vector<512xf32>
    %broadcast_in_dim3A_244 = vector.shape_cast %max3A_243 : vector<512xf32> to vector<512x1xf32>
    %sub3A_245 = vector.broadcast %broadcast_in_dim3A_244 : vector<512x1xf32> to vector<512x8xf32>
    %sub3A_246 = arith.subf %dot_general3A_238, %sub3A_245 : vector<512x8xf32>
    %exp3A_247 = math.exp %sub3A_246 : vector<512x8xf32>
    %reduce_sum3A_248 = arith.constant dense<0.000000e+00> : vector<512xf32>
    %reduce_sum3A_249 = vector.multi_reduction <add>, %exp3A_247, %reduce_sum3A_248 [1] : vector<512x8xf32> to vector<512xf32>
    %broadcast_in_dim3A_250 = vector.shape_cast %reduce_sum3A_249 : vector<512xf32> to vector<512x1xf32>
    %div3A_251 = vector.broadcast %broadcast_in_dim3A_250 : vector<512x1xf32> to vector<512x8xf32>
    %div3A_252 = arith.divf %exp3A_247, %div3A_251 : vector<512x8xf32>
    %mul3A_253 = vector.broadcast %slice3A_230 : vector<512x1xf32> to vector<512x8xf32>
    %mul3A_254 = arith.mulf %mul3A_253, %div3A_252 : vector<512x8xf32>
    %add3A_255 = arith.addf %add3A_226, %mul3A_254 : vector<512x8xf32>
    %get3A_256 = arith.constant 0 : index
    %get3A_257 = arith.constant 1152 : index
    %get3A_258 = vector.load %arg1[%get3A_256, %get3A_257] : memref<512x1408xf32, #tpu.memory_space<vmem>>, vector<512x128xf32>
    %slice3A_259 = vector.extract_strided_slice %get3A_1 {offsets = [0, 9], sizes = [512, 1], strides = [1, 1]} : vector<512x16xf32> to vector<512x1xf32>
    %mul3A_260 = vector.broadcast %slice3A_259 : vector<512x1xf32> to vector<512x128xf32>
    %mul3A_261 = arith.mulf %mul3A_260, %get3A_258 : vector<512x128xf32>
    %add3A_262 = arith.addf %add3A_233, %mul3A_261 : vector<512x128xf32>
    %get3A_263 = arith.constant 0 : index
    %get3A_264 = arith.constant 0 : index
    %get3A_265 = vector.load %arg3[%get3A_263, %get3A_264] : memref<128x8xf32, #tpu.memory_space<vmem>>, vector<128x8xf32>
    %dot_general3A_266 = arith.constant dense<0.000000e+00> : vector<512x8xf32>
    %dot_general3A_267 = tpu.matmul %get3A_258, %get3A_265, %dot_general3A_266 {dimension_numbers = #tpu.dot_dimension_numbers<[1], [0], [0], [1], [0, 0, 1, 1], [], []>, transpose_lhs_hint = false} : vector<512x128xf32>, vector<128x8xf32>, vector<512x8xf32> -> vector<512x8xf32>
    %reduce_max3A_268 = arith.constant dense<0xFF800000> : vector<512xf32>
    %reduce_max3A_269 = vector.multi_reduction <maximumf>, %dot_general3A_267, %reduce_max3A_268 [1] : vector<512x8xf32> to vector<512xf32>
    %max3A_270 = arith.constant 0xFF800000 : f32
    %max3A_271 = vector.broadcast %max3A_270 : f32 to vector<512xf32>
    %max3A_272 = arith.maximumf %max3A_271, %reduce_max3A_269 : vector<512xf32>
    %broadcast_in_dim3A_273 = vector.shape_cast %max3A_272 : vector<512xf32> to vector<512x1xf32>
    %sub3A_274 = vector.broadcast %broadcast_in_dim3A_273 : vector<512x1xf32> to vector<512x8xf32>
    %sub3A_275 = arith.subf %dot_general3A_267, %sub3A_274 : vector<512x8xf32>
    %exp3A_276 = math.exp %sub3A_275 : vector<512x8xf32>
    %reduce_sum3A_277 = arith.constant dense<0.000000e+00> : vector<512xf32>
    %reduce_sum3A_278 = vector.multi_reduction <add>, %exp3A_276, %reduce_sum3A_277 [1] : vector<512x8xf32> to vector<512xf32>
    %broadcast_in_dim3A_279 = vector.shape_cast %reduce_sum3A_278 : vector<512xf32> to vector<512x1xf32>
    %div3A_280 = vector.broadcast %broadcast_in_dim3A_279 : vector<512x1xf32> to vector<512x8xf32>
    %div3A_281 = arith.divf %exp3A_276, %div3A_280 : vector<512x8xf32>
    %mul3A_282 = vector.broadcast %slice3A_259 : vector<512x1xf32> to vector<512x8xf32>
    %mul3A_283 = arith.mulf %mul3A_282, %div3A_281 : vector<512x8xf32>
    %add3A_284 = arith.addf %add3A_255, %mul3A_283 : vector<512x8xf32>
    %get3A_285 = arith.constant 0 : index
    %get3A_286 = arith.constant 1280 : index
    %get3A_287 = vector.load %arg1[%get3A_285, %get3A_286] : memref<512x1408xf32, #tpu.memory_space<vmem>>, vector<512x128xf32>
    %slice3A_288 = vector.extract_strided_slice %get3A_1 {offsets = [0, 10], sizes = [512, 1], strides = [1, 1]} : vector<512x16xf32> to vector<512x1xf32>
    %mul3A_289 = vector.broadcast %slice3A_288 : vector<512x1xf32> to vector<512x128xf32>
    %mul3A_290 = arith.mulf %mul3A_289, %get3A_287 : vector<512x128xf32>
    %add3A_291 = arith.addf %add3A_262, %mul3A_290 : vector<512x128xf32>
    %get3A_292 = arith.constant 0 : index
    %get3A_293 = arith.constant 0 : index
    %get3A_294 = vector.load %arg3[%get3A_292, %get3A_293] : memref<128x8xf32, #tpu.memory_space<vmem>>, vector<128x8xf32>
    %dot_general3A_295 = arith.constant dense<0.000000e+00> : vector<512x8xf32>
    %dot_general3A_296 = tpu.matmul %get3A_287, %get3A_294, %dot_general3A_295 {dimension_numbers = #tpu.dot_dimension_numbers<[1], [0], [0], [1], [0, 0, 1, 1], [], []>, transpose_lhs_hint = false} : vector<512x128xf32>, vector<128x8xf32>, vector<512x8xf32> -> vector<512x8xf32>
    %reduce_max3A_297 = arith.constant dense<0xFF800000> : vector<512xf32>
    %reduce_max3A_298 = vector.multi_reduction <maximumf>, %dot_general3A_296, %reduce_max3A_297 [1] : vector<512x8xf32> to vector<512xf32>
    %max3A_299 = arith.constant 0xFF800000 : f32
    %max3A_300 = vector.broadcast %max3A_299 : f32 to vector<512xf32>
    %max3A_301 = arith.maximumf %max3A_300, %reduce_max3A_298 : vector<512xf32>
    %broadcast_in_dim3A_302 = vector.shape_cast %max3A_301 : vector<512xf32> to vector<512x1xf32>
    %sub3A_303 = vector.broadcast %broadcast_in_dim3A_302 : vector<512x1xf32> to vector<512x8xf32>
    %sub3A_304 = arith.subf %dot_general3A_296, %sub3A_303 : vector<512x8xf32>
    %exp3A_305 = math.exp %sub3A_304 : vector<512x8xf32>
    %reduce_sum3A_306 = arith.constant dense<0.000000e+00> : vector<512xf32>
    %reduce_sum3A_307 = vector.multi_reduction <add>, %exp3A_305, %reduce_sum3A_306 [1] : vector<512x8xf32> to vector<512xf32>
    %broadcast_in_dim3A_308 = vector.shape_cast %reduce_sum3A_307 : vector<512xf32> to vector<512x1xf32>
    %div3A_309 = vector.broadcast %broadcast_in_dim3A_308 : vector<512x1xf32> to vector<512x8xf32>
    %div3A_310 = arith.divf %exp3A_305, %div3A_309 : vector<512x8xf32>
    %mul3A_311 = vector.broadcast %slice3A_288 : vector<512x1xf32> to vector<512x8xf32>
    %mul3A_312 = arith.mulf %mul3A_311, %div3A_310 : vector<512x8xf32>
    %add3A_313 = arith.addf %add3A_284, %mul3A_312 : vector<512x8xf32>
    %swap3A = arith.constant 0 : index
    %swap3A_314 = arith.constant 0 : index
    %swap3A_315 = vector.load %arg4[%swap3A, %swap3A_314] : memref<512x128xf32, #tpu.memory_space<vmem>>, vector<512x128xf32>
    tpu.vector_store %arg4[%swap3A, %swap3A_314], %add3A_291 {strides = array<i32>} : memref<512x128xf32, #tpu.memory_space<vmem>>, vector<512x128xf32>,
    %swap3A_316 = arith.constant 0 : index
    %swap3A_317 = arith.constant 0 : index
    %swap3A_318 = vector.load %arg5[%swap3A_316, %swap3A_317] : memref<512x8xf32, #tpu.memory_space<vmem>>, vector<512x8xf32>
    tpu.vector_store %arg5[%swap3A_316, %swap3A_317], %add3A_313 {strides = array<i32>} : memref<512x8xf32, #tpu.memory_space<vmem>>, vector<512x8xf32>,
    return
  }
  func.func @transform_0(%arg0: i32) -> (i32, i32) {
    %c0_i32 = arith.constant 0 : i32
    %c0_i32_0 = arith.constant 0 : i32
    %c0_i32_1 = arith.constant 0 : i32
    return %c0_i32, %c0_i32_0 : i32, i32
  }
  func.func @transform_1(%arg0: i32) -> (i32, i32) {
    %c0_i32 = arith.constant 0 : i32
    %c0_i32_0 = arith.constant 0 : i32
    %c0_i32_1 = arith.constant 0 : i32
    return %c0_i32, %c0_i32_0 : i32, i32
  }
  func.func @transform_2(%arg0: i32) -> (i32, i32) {
    %c0_i32 = arith.constant 0 : i32
    %c0_i32_0 = arith.constant 0 : i32
    %c0_i32_1 = arith.constant 0 : i32
    return %c0_i32, %c0_i32_0 : i32, i32
  }
  func.func @transform_3(%arg0: i32) -> (i32, i32) {
    %c0_i32 = arith.constant 0 : i32
    %c0_i32_0 = arith.constant 0 : i32
    %c0_i32_1 = arith.constant 0 : i32
    return %c0_i32, %c0_i32_0 : i32, i32
  }
  func.func @transform_4(%arg0: i32) -> (i32, i32) {
    %c0_i32 = arith.constant 0 : i32
    %c0_i32_0 = arith.constant 0 : i32
    %c0_i32_1 = arith.constant 0 : i32
    return %c0_i32, %c0_i32_0 : i32, i32
  }
}

</mosaic_0001>

<sc_bundles>
// kernel: kernel.5.cloned.1.call-start
scs
__scs_entry_jumppad:
0x0: {  	(pc) =	sbr.rel $0x88, $3  }
0x1: {  	(tag) =	ssettag $0x0;
	lr =	simm.s32 $0x1  }
0x2: {  	[smem:$0x3F9B] =	sst lr;
	_ =	strace $0xD0000000  }
0x3: {  	_ = 	snop  }
0x4: {  	_ = 	snop  }
0x5: {  	_ = 	snop  }
0x6: {  	_ = 	snop  }
0x7: {  	_ = 	snop  }
__scs_overlays_trampoline_lowered:
0x8: {  	[smem:$0x3FAA] =	sst s0  }
0x9: {  	[smem:$0x3FAB] =	sst s1  }
0xa: {  	[smem:$0x3FAC] =	sst s2  }
0xb: {  	[smem:$0x3FAD] =	sst s3  }
0xc: {  	[smem:$0x3FAE] =	sst s4  }
0xd: {  	[smem:$0x3FAF] =	sst s5  }
0xe: {  	[smem:$0x3FB0] =	sst s6  }
0xf: {  	[smem:$0x3FB1] =	sst s7  }
0x10: {  	[smem:$0x3FB2] =	sst s8  }
0x11: {  	[smem:$0x3FB3] =	sst s9;
	s0 =	simm.s32 @!p0 $0x0  }
0x12: {  	s1 =	sld [smem:$0x3F99];
	s0 =	simm.s32 @p0 $0x1  }
0x13: {  	[smem:$0x3FB4] =	sst s0;
	s0 =	simm.s32 @!p1 $0x0  }
0x14: {  	s2 =	sld [smem:$0x3F98];
	s0 =	simm.s32 @p1 $0x1  }
0x15: {  	[smem:$0x3FB5] =	sst s0;
	s0 =	simm.s32 @!p2 $0x0  }
0x16: {  	s3 =	sld [smem:$0x3FDB];
	s0 =	simm.s32 @p2 $0x1  }
0x17: {  	s4 =	simm.s32 $0x1BF5;
	[smem:$0x3FB7] =	sst s0  }
0x18: {  	s0 =	sld [smem:$0x3F9A];
	_ =	swait.ge [sflag:s4], $0x0  }
0x19: {  	s7 =	sld [smem:$0x3F9B]  }
0x1a: {  	s8 =	sadd.s32 $0xFFFFE003, lr  }
0x1b: {  	s9 =	sadd.s32 $0xFFFFFEF7, lr;
	s5 =	simm.s32 $0xFFFFFFFF;
	p2 =	slt.u32 s8, $0xFFFFF086  }
0x1c: {  	p1 =	slt.u32 s9, $0xF7A;
	s5 =	simm.s32 @!p2 $0x0  }
0x1d: {  	s5 =	simm.s32 @p1 $0x1;
	p0 =	seq.s32 s7, s2  }
0x1e: {  	s7 =	smul.u32 @!p0 $0xF7A, s2;
	p2 =	seq.s32 @!p0 s5, $0x0  }
0x1f: {  	s9 =	smul.u32 $0xF7A, s1;
	s8 =	simm.s32 @!p0 $0x1BF5;
	p2 =	por !p2, p0  }
0x20: {  	[sflag:s8] =	ssyncset.s32 @!p0 $0xFFFFF086;
	s6 =	sadd.s32 @!p0 s3, s7;
	s7 =	simm.s32 @!p0 $0x108  }
0x21: {  	s3 =	sadd.s32 s3, s9;
	s6 =	sadd.s32 @!p0 $0x88, s6;
	s7 =	simm.s32 @p2 $0x1082  }
0x22: {  	[simem:s7], [sflag:s8] =	dma.local @!p0 [hbm:s6], $0xF7A  }
0x23: {  	s9 =	sor.u32 $0xD0000000, s2;
	s6 =	simm.s32 $0x108;
	_ =	swait.ge @!p0 [sflag:s8], $0x0  }
0x24: {  	s3 =	sadd.s32 $0x88, s3;
	s6 =	simm.s32 @!p1 $0x1082;
	[sflag:s4] =	ssyncset.s32 $0xFFFFF086  }
0x25: {  	[simem:s6], [sflag:s4] =	dma.local [hbm:s3], $0xF7A  }
0x26: {  	[smem:$0x3F9B] =	sst s1;
	(tag) =	ssettag s2;
	_ =	strace s9  }
0x27: {  	s1 =	sld [smem:$0x3FAB]  }
0x28: {  	s2 =	sld [smem:$0x3FAC]  }
0x29: {  	s4 =	sld [smem:$0x3FAE]  }
0x2a: {  	p0 =	seq.s32 s5, $0x0;
	s5 =	sld [smem:$0x3FAF]  }
0x2b: {  	s6 =	sld [smem:$0x3FB0]  }
0x2c: {  	s7 =	sld [smem:$0x3FB1]  }
0x2d: {  	s3 =	simm.s32 $0x108;
	s8 =	sld [smem:$0x3FB2]  }
0x2e: {  	s3 =	simm.s32 @!p0 $0x1082;
	s9 =	sld [smem:$0x3FB3]  }
0x2f: {  	lr =	sadd.s32 s0, s3;
	s0 =	sld [smem:$0x3FAA]  }
0x30: {  	s3 =	sld [smem:$0x3FAD]  }
0x31: {  	[smem:$0x3FB6] =	sst s10  }
0x32: {  	s10 =	sld [smem:$0x3FB4];
	_ =	sdelay $0x3  }
0x33: {  	p0 =	seq.s32 s10, $0x1;
	s10 =	sld [smem:$0x3FB6];
	_ =	sdelay $0x3  }
0x34: {  	[smem:$0x3FB6] =	sst s10  }
0x35: {  	s10 =	sld [smem:$0x3FB5];
	_ =	sdelay $0x3  }
0x36: {  	p1 =	seq.s32 s10, $0x1;
	s10 =	sld [smem:$0x3FB6];
	_ =	sdelay $0x3  }
0x37: {  	[smem:$0x3FB6] =	sst s10  }
0x38: {  	s10 =	sld [smem:$0x3FB7]  }
0x39: {  	_ = 	snop;
	(pc) =	sbr.ind lr, $3  }
0x3a: {  	_ = 	snop  }
0x3b: {  	_ = 	snop  }
0x3c: {  	p2 =	seq.s32 s10, $0x1;
	s10 =	sld [smem:$0x3FB6]  }
0x3d: {  	_ =	shalt  }
0x3e: {  	_ =	shalt  }
0x3f: {  	_ =	shalt  }
0x40: {  	_ =	shalt  }
0x41: {  	_ =	shalt  }
0x42: {  	_ =	shalt  }
0x43: {  	_ =	shalt  }
0x44: {  	_ =	shalt  }
0x45: {  	_ =	shalt  }
0x46: {  	_ =	shalt  }
0x47: {  	_ =	shalt  }
0x48: {  	_ =	shalt  }
0x49: {  	_ =	shalt  }
0x4a: {  	_ =	shalt  }
0x4b: {  	_ =	shalt  }
0x4c: {  	_ =	shalt  }
0x4d: {  	_ =	shalt  }
0x4e: {  	_ =	shalt  }
0x4f: {  	_ =	shalt  }
0x50: {  	_ =	shalt  }
0x51: {  	_ =	shalt  }
0x52: {  	_ =	shalt  }
0x53: {  	_ =	shalt  }
0x54: {  	_ =	shalt  }
0x55: {  	_ =	shalt  }
0x56: {  	_ =	shalt  }
0x57: {  	_ =	shalt  }
0x58: {  	_ =	shalt  }
0x59: {  	_ =	shalt  }
0x5a: {  	_ =	shalt  }
0x5b: {  	_ =	shalt  }
0x5c: {  	_ =	shalt  }
0x5d: {  	_ =	shalt  }
0x5e: {  	_ =	shalt  }
0x5f: {  	_ =	shalt  }
0x60: {  	_ =	shalt  }
0x61: {  	_ =	shalt  }
0x62: {  	_ =	shalt  }
0x63: {  	_ =	shalt  }
0x64: {  	_ =	shalt  }
0x65: {  	_ =	shalt  }
0x66: {  	_ =	shalt  }
0x67: {  	_ =	shalt  }
0x68: {  	_ =	shalt  }
0x69: {  	_ =	shalt  }
0x6a: {  	_ =	shalt  }
0x6b: {  	_ =	shalt  }
0x6c: {  	_ =	shalt  }
0x6d: {  	_ =	shalt  }
0x6e: {  	_ =	shalt  }
0x6f: {  	_ =	shalt  }
0x70: {  	_ =	shalt  }
0x71: {  	_ =	shalt  }
0x72: {  	_ =	shalt  }
0x73: {  	_ =	shalt  }
0x74: {  	_ =	shalt  }
0x75: {  	_ =	shalt  }
0x76: {  	_ =	shalt  }
0x77: {  	_ =	shalt  }
0x78: {  	_ =	shalt  }
0x79: {  	_ =	shalt  }
0x7a: {  	_ =	shalt  }
0x7b: {  	_ =	shalt  }
0x7c: {  	_ =	shalt  }
0x7d: {  	_ =	shalt  }
0x7e: {  	_ =	shalt  }
0x7f: {  	_ =	shalt  }
0x80: {  	_ =	shalt  }
0x81: {  	_ =	shalt  }
0x82: {  	_ =	shalt  }
0x83: {  	_ =	shalt  }
0x84: {  	_ =	shalt  }
0x85: {  	_ =	shalt  }
0x86: {  	_ =	shalt  }
0x87: {  	_ =	shalt  }
.Lfunc_end0:
.L_simem_size_0:
called_computation_lowered:
.L_overlay_start_0:
0x88: {  	s2 =	sld [smem:$0x3FD9]  }
0x89: {  	s3 =	sld [smem:$0x3FFE];
	_ =	sdelay $0x1  }
0x8a: {  	s1 =	srdreg.scid  }
0x8b: {  	s0 =	sand.u32 $0x1, s1  }
0x8c: {  	s14 =	sshll.u32 s0, $0xA;
	s2 =	sadd.s32 s3, s2  }
0x8d: {  	s2 =	sadd.s32 s2, s14  }
0x8e: {  	[smem:$0x3FC2] =	sst s2  }
0x8f: {  	_ = 	snop  }
0x90: {  	s2 =	sld [smem:$0x3FD0];
	_ =	sdelay $0x2  }
0x91: {  	s4 =	simm.s32 $0xA;
	s5 =	simm.s32 $0x10;
	s15 =	sld [smem:$0x3FC8]  }
0x92: {  	[smem:s5], [sflag:s4] =	dma.local [hbm:s2], $0x1  }
0x93: {  	_ =	swait.eq [sflag:s4], $0x1  }
0x94: {  	s16 =	sld [smem:$0x10];
	[sflag:s4] =	ssyncset.done $0x0  }
0x95: {  	s17 =	sld [smem:$0x11];
	[sflag:s4] =	ssyncadd.s32 $0xFFFFFFFF  }
0x96: {  	s18 =	sld [smem:$0x12];
	(tm) =	ssettm $0x1  }
0x97: {  	s6 =	sld [smem:$0x3FFB];
	_ =	sdelay $0x3  }
0x98: {  	_ =	strace s6  }
0x99: {  	s6 =	sld [smem:$0x3FFC];
	_ =	sdelay $0x3  }
0x9a: {  	_ =	strace s6  }
0x9b: {  	s6 =	sld [smem:$0x3FFD];
	_ =	sdelay $0x3  }
0x9c: {  	_ =	strace s6  }
0x9d: {  	_ =	strace $0x8FFFFFFF  }
0x9e: {  	s19 =	sld [smem:$0x3FDB];
	_ =	sdelay $0x1  }
0x9f: {  	s7 =	simm.s32 $_scs_section_size  }
0xa0: {  	s8 =	simm.s32 $_size__tile_overlayer_lowered;
	s9 =	simm.s32 $_tile_overlayer_lowered  }
0xa1: {  	s22 =	simm.s32 $0x1BFF;
	s21 =	sshll.u32 s9, $0x1;
	s6 =	sadd.s32 s7, s19  }
0xa2: {  	s10 =	simm.s32 $0x0;
	s20 =	sshll.u32 s8, $0x1;
	s8 =	sadd.s32 s21, s6  }
0xa3: {  	[timem:s10], [sflag:s22] =	dma.local [hbm:s8], s20  }
0xa4: {  	_ =	swait.ge [sflag:s22], s20  }
0xa5: {  	s7 =	ssub.s32 $0x0, s20;
	[sflag:s22] =	ssyncset.done $0x0  }
0xa6: {  	[sflag:s22] =	ssyncadd.s32 s7;
	_ =	sdelay $0x1  }
0xa7: {  	s23 =	simm.s32 $0x1B8B  }
0xa8: {  	_ =	swait.ge [sflag:s23], $0x1  }
0xa9: {  	[sflag:s23] =	ssyncset.done $0x0  }
0xaa: {  	s25 =	simm.s32 $0x1B8E;
	s24 =	sld [smem:$0x3FFE];
	[sflag:s23] =	ssyncadd.s32 $0xFFFFFFFF  }
0xab: {  	s26 =	simm.s32 $execute0_lowered;
	[smem:$0x3FD2] =	sst s25  }
0xac: {  	s8 =	sshll.u32 s26, $0x1;
	_ =	strace $0x80000046;
	[dreg:$0x1] =	wrdreg $0xFFFFFFFF  }
0xad: {  	s28 =	simm.s32 $_size_execute0_lowered;
	s6 =	sadd.s32 s6, s8;
	[dreg:$0x0] =	wrdreg $0x0  }
0xae: {  	s8 =	sshll.u32 s28, $0x1;
	[dreg:$0x2] =	wrdreg s6  }
0xaf: {  	[dreg:$0x3] =	wrdreg s8  }
0xb0: {  	[dreg:$0x4] =	wrdreg $0xC0  }
0xb1: {  	_ =	task [dreg:s10], $0x5FFFF  }
0xb2: {  	[dreg:$0x1] =	wrdreg $0xFFFFFFFF  }
0xb3: {  	[dreg:$0x0] =	wrdreg $0x60  }
0xb4: {  	[dreg:$0x2] =	wrdreg s18  }
0xb5: {  	[dreg:$0x3] =	wrdreg s16  }
0xb6: {  	[dreg:$0x4] =	wrdreg s17  }
0xb7: {  	[dreg:$0x5] =	wrdreg s15  }
0xb8: {  	[dreg:$0x6] =	wrdreg s24  }
0xb9: {  	[dreg:$0x7] =	wrdreg $0x9  }
0xba: {  	_ =	task.clear_ibuf [dreg:s10], $0x8FFFF;
	_ =	strace $0x90000046  }
0xbb: {  	s29 =	simm.s32 $0x9;
	_ =	strace $0x80000048  }
0xbc: {  	_ =	swait.ge [sflag:s29], $0x1  }
0xbd: {  	[sflag:s29] =	ssyncadd.s32 $0xFFFFFFFF  }
0xbe: {  	_ =	strace $0x90000048  }
0xbf: {  	_ =	sfence  }
0xc0: {  	s30 =	sld [smem:$0x0];
	_ =	sdelay $0x2  }
0xc1: {  	s31 =	sshll.u32 s1, $0xD;
	s1 =	sshrl.u32 s1, $0x2  }
0xc2: {  	s3 =	sand.u32 $0x4000, s31;
	s1 =	sadd.s32 s1, s30  }
0xc3: {  	s0 =	sor.u32 s3, s0;
	s1 =	sshll.u32 s1, $0x11  }
0xc4: {  	s0 =	sor.u32 s1, s0  }
0xc5: {  	s0 =	sadd.s32 $0x8F2B, s0  }
0xc6: {  	[sflag:s0] =	ssyncadd.remote.s32 $0x1  }
0xc7: {  	_ =	sfence.sel $0xFFFF  }
0xc8: {  	[dreg:$0x0] =	wrdreg $0xFFFFFFFF;
	(pc) =	sbr.abs _section_cstart, $3  }
0xc9: {  	[dreg:$0x1] =	wrdreg $0xFFFFFFFF  }
0xca: {  	_ =	task.clear_ibuf [dreg:s10], $0x2FFFF;
	_ =	strace $0x9FFFFFFF  }
0xcb: {  	(tm) =	ssettm $0x7FFFFFFF  }
tec
execute0_lowered:
.L_overlay_start_1:
0x0: {  	(tag) =	ssettag $0x1  }
0x1: {  	s5 =	rddreg [dreg:$0x0]  }
0x2: {  	s6 =	rddreg [dreg:$0x1]  }
0x3: {  	s7 =	rddreg [dreg:$0x2]  }
0x4: {  	s2 =	rddreg [dreg:$0x3];
	s1 =	srdreg.scid  }
0x5: {  	s0 =	stileid.u32;
	s8 =	rddreg [dreg:$0x4]  }
0x6: {  	s3 =	simm.s32 $0x0;
	s14 =	simm.s32 $0x5080;
	s15 =	simm.s32 $0x58  }
0x7: {  	s16 =	simm.s32 $0x1;
	s17 =	simm.s32 $0x5180;
	s18 =	simm.s32 $0x4F00  }
0x8: {  	s19 =	simm.s32 $0x5100;
	s20 =	simm.s32 $0x5000;
	s21 =	simm.s32 $0x7D80  }
0x9: {  	s22 =	simm.s32 $0x0;
	s9 =	sand.u32 $0x1, s1;
	s1 =	rddreg [dreg:$0x5]  }
0xa: {  	s4 =	sshll.u32 s0, $0x1;
	[smem:$0x7FF] =	sst s3;
	s12 =	smul.u32 $0x30D400, s0  }
0xb: {  	s10 =	sor.u32 s9, s4;
	s13 =	ssub.s32 $0x2, s9;
	s9 =	smul.u32 $0x186A00, s9  }
0xc: {  	_ =	strace $0x80000047;
	s11 =	smul.u32 $0xB00, s10;
	s10 =	sshll.u32 s10, $0x5  }
0xd: {  	s4 =	sadd.s32 $0x17400, s8;
	s30 =	sshrl.u32 s13, $0x1;
	s5 =	sadd.s32 s5, s10  }
0xe: {  	s9 =	sadd.s32 s9, s12;
	s6 =	sadd.s32 s6, s10;
	s7 =	sadd.s32 s7, s10  }
0xf: {  	s12 =	simm.s32 $0x4E80;
	s8 =	sadd.s32 s11, s8;
	s11 =	ssub.s32 s13, s30  }
0x10: {  	s31 =	sshrl.u32 s9, $0x3;
	s13 =	simm.s32 $0x4F80;
	s8 =	sadd.s32 $0x1400, s8  }
0x11: {  	v0 =	vimm.f32 $0.0e+00;
	s9 =	smax.u32 s11, $0x1;
	s10 =	sadd.s32 s31, s4;
	s11 =	simm.s32 $0x2  }
.LBB2_1:
0x12: {  	s23 =	simm.s32 $0x0  }
.LBB2_2:
0x13: {  	p0 =	sne.s32 s23, $0x13840  }
.Ltmp0:
0x14: {  	_ = 	snop;
	(pc) =	sbr.rel @p0 .LBB2_2-.Ltmp0, $3  }
0x15: {  	_ =	sdelay $0x1  }
0x16: {  	s24 =	sshra.s32 s23, $0x2  }
0x17: {  	s23 =	sadd.s32 $0x40, s23;
	[tilespmem:s24+$0x0] =	vst v0  }
0x18: {  	s23 =	sadd.s32 $0x0, s10  }
0x19: {  	[hbm4b:s23+s3] =	stream.linear.scatter [tilespmem:s3], [sflag:$0x2], $0x4E20, $0x38;
	[tilespmem:$0xA980] =	vst v63  }
0x1a: {  	_ =	swait.ge [sflag:s11], $0x4E20  }
0x1b: {  	s23 =	simm.s32 $0x9C4;
	[sflag:s11] =	ssyncset.done $0x0  }
.LBB2_4:
0x1c: {  	s24 =	sadd.s32 s23, s10;
	[sflag:s11] =	ssyncadd.s32 $0xFFFFB1E0;
	p0 =	sne.s32 s23, $0x3037C  }
0x1d: {  	[hbm4b:s24+s3] =	stream.linear.scatter [tilespmem:s3], [sflag:$0x2], $0x4E20, $0x38;
	[tilespmem:$0xA980] =	vst v63  }
.Ltmp1:
0x1e: {  	_ = 	snop;
	(pc) =	sbr.rel @p0 .LBB2_4-.Ltmp1, $4  }
0x1f: {  	_ = 	snop  }
0x20: {  	s23 =	sadd.s32 $0x9C4, s23  }
0x21: {  	_ =	swait.ge [sflag:s11], $0x4E20  }
0x22: {  	[sflag:s11] =	ssyncset.done $0x0  }
0x23: {  	[sflag:s11] =	ssyncadd.s32 $0xFFFFB1E0  }
0x24: {  	[tilespmem:s12], [sflag:$0x2] =	stream.linear.gather [hbm4b:s5+s3], $0x100, $0x38;
	[tilespmem:$0xA980] =	vst v63  }
0x25: {  	_ =	swait.ge [sflag:s11], $0x100  }
0x26: {  	[sflag:s11] =	ssyncset.done $0x0  }
0x27: {  	[sflag:s11] =	ssyncadd.s32 $0xFFFFFF00  }
0x28: {  	[tilespmem:s13], [sflag:$0x2] =	stream.linear.gather [hbm4b:s6+s3], $0x100, $0x38;
	[tilespmem:$0xA980] =	vst v63  }
0x29: {  	_ =	swait.ge [sflag:s11], $0x100  }
0x2a: {  	[sflag:s11] =	ssyncset.done $0x0  }
0x2b: {  	[sflag:s11] =	ssyncadd.s32 $0xFFFFFF00  }
0x2c: {  	[tilespmem:s14], [sflag:$0x2] =	stream.linear.gather [hbm4b:s7+s3], $0x100, $0x38;
	[tilespmem:$0xA980] =	vst v63  }
0x2d: {  	_ =	swait.ge [sflag:s11], $0x100  }
0x2e: {  	[sflag:s11] =	ssyncset.done $0x0  }
0x2f: {  	[sflag:s11] =	ssyncadd.s32 $0xFFFFFF00  }
0x30: {  	[hbm4b:s4+s15] =	stream.indirect.scatter [tilespmem:s14], [sflag:$0x1], $0x1, s12, s15, $0xb8;
	[tilespmem:$0xA980] =	vst v63  }
0x31: {  	_ =	swait.ge [sflag:s16], $0x58  }
0x32: {  	[sflag:s16] =	ssyncset.done $0x0  }
0x33: {  	[sflag:s16] =	ssyncadd.s32 $0xFFFFFFA8  }
0x34: {  	[tilespmem:s17], [sflag:$0x1] =	stream.indirect.gather [hbm4b:s2+s15], $0x80, s13, s15, $0xb8;
	[tilespmem:$0xA980] =	vst v63  }
0x35: {  	_ =	swait.ge [sflag:s16], $0x2C00  }
0x36: {  	[sflag:s16] =	ssyncset.done $0x0  }
0x37: {  	[sflag:s16] =	ssyncadd.s32 $0xFFFFD400  }
0x38: {  	[hbm4b:s4+s15] =	stream.indirect.scatter [tilespmem:s19], [sflag:$0x1], $0x1, s18, s15, $0xb8;
	[tilespmem:$0xA980] =	vst v63  }
0x39: {  	_ =	swait.ge [sflag:s16], $0x58  }
0x3a: {  	[sflag:s16] =	ssyncset.done $0x0  }
0x3b: {  	[sflag:s16] =	ssyncadd.s32 $0xFFFFFFA8  }
0x3c: {  	[tilespmem:s21], [sflag:$0x1] =	stream.indirect.gather [hbm4b:s2+s15], $0x80, s20, s15, $0xb8;
	[tilespmem:$0xA980] =	vst v63  }
0x3d: {  	s22 =	sadd.s32 $0x1, s22;
	_ =	swait.ge [sflag:s16], $0x2C00  }
0x3e: {  	p0 =	sne.s32 s22, s9;
	[sflag:s16] =	ssyncset.done $0x0  }
.Ltmp2:
0x3f: {  	[sflag:s16] =	ssyncadd.s32 $0xFFFFD400;
	(pc) =	sbr.rel @p0 .LBB2_1-.Ltmp2, $4  }
0x40: {  	[hbm4b:s8+s3] =	stream.linear.scatter [tilespmem:s17], [sflag:$0x2], $0x5800, $0x38;
	[tilespmem:$0xA980] =	vst v63  }
0x41: {  	_ =	swait.ge [sflag:s11], $0x5800  }
0x42: {  	[sflag:s11] =	ssyncset.done $0x0  }
0x43: {  	[sflag:s11] =	ssyncadd.s32 $0xFFFFA800  }
0x44: {  	_ =	sfence.sel $0x180000  }
0x45: {  	[bflag:$0x0] =	sbarrier.arrive $0xFFFF  }
0x46: {  	p0 =	sne.s32 s0, $0x0;
	_ =	strace $0x90000047  }
0x47: {  	s0 =	sadd.s32 @!p0 $0x100000, s1;
	[bflag:$0x2] =	sbarrier.arrive $0xFFFF  }
0x48: {  	[sflag:s0] =	ssyncadd.tile.s32 @!p0 $0x1;
	_ =	shalt  }
.Lfunc_end2:
_tile_overlayer_lowered:
.L_overlay_start_2:
0x49: {  	(tag) =	ssettag $0x2  }
0x4a: {  	s0 =	rddreg [dreg:$0x0];
	s2 =	stileid.u32  }
0x4b: {  	s1 =	rddreg [dreg:$0x1];
	p0 =	sne.s32 s2, $0x0  }
0x4c: {  	s3 =	rddreg [dreg:$0x2];
	[bflag:$0x3] =	sbarrier.arrive $0xFFFF;
	s2 =	simm.s32 @!p0 $0x1C02  }
0x4d: {  	[timem:s3], [sflag:s2] =	dma.local @!p0 [hbm:s0], s1  }
0x4e: {  	s0 =	simm.s32 @!p0 $0x2  }
0x4f: {  	_ =	swait.ge @!p0 [sflag:s0], s1  }
0x50: {  	s1 =	ssub.s32 @!p0 $0x0, s1;
	[sflag:s0] =	ssyncset.done @!p0 $0x0  }
0x51: {  	[sflag:s0] =	ssyncadd.s32 @!p0 s1  }
0x52: {  	[bflag:$0x3] =	sbarrier.arrive $0xFFFF  }
0x53: {  	_ =	shalt  }

</sc_bundles>
